<compile_context>
chip_gen: v7x
topology: tpu7x:2x2x1
jax: 0.10.2.dev20260603
libtpu: 0.0.44.dev20260713+nightly
codegen_flags: <defaults>
</compile_context>

<pallas_src>
import functools

import jax
import jax.numpy as jnp
from jax import lax
from jax.experimental import pallas as pl
from jax.experimental.pallas import tpu as pltpu
from jax.experimental.pallas import tpu_sc as plsc

_N = 10000
_E = 320000
_D = 128
_G = 64
_EPS = 1e-5

_NC = 2
_NS = 16
_NW = _NC * _NS
_FPW = _D // _NW
_ECH = 4000


def _wid():
    return lax.axis_index("s") * _NC + lax.axis_index("c")


def _deg_body(dst_hbm, out_hbm, dst_v, acc_v):
    w = _wid()
    epw = _E // _NW
    pltpu.sync_copy(dst_hbm.at[pl.ds(w * epw, epw)], dst_v)

    @functools.partial(plsc.parallel_loop, 0, _N // 16, unroll=8)
    def zero(i):
        acc_v[pl.ds(i * 16, 16)] = jnp.zeros((16,), jnp.float32)

    ones = jnp.ones((16,), jnp.float32)

    @functools.partial(plsc.parallel_loop, 0, epw // 16, unroll=8)
    def body(i):
        d16 = dst_v[pl.ds(i * 16, 16)]
        plsc.addupdate_scatter(acc_v, [d16], ones)
    pltpu.sync_copy(acc_v, out_hbm.at[w])


def _degrees(dst):
    mesh = plsc.VectorSubcoreMesh(core_axis_name="c", subcore_axis_name="s")
    f = pl.kernel(
        _deg_body,
        out_type=jax.ShapeDtypeStruct((_NW, _N), jnp.float32),
        mesh=mesh,
        scratch_types=[
            pltpu.VMEM((_E // _NW,), jnp.int32),
            pltpu.VMEM((_N,), jnp.float32),
        ],
        compiler_params=pltpu.CompilerParams(needs_layout_passes=False),
    )
    return f(dst)


def _agg_body(gp_hbm, pk_hbm, out_hbm, g_v, acc_v, pk_v, sem):
    w = _wid()
    npp = _FPW // 2
    nch = _E // _ECH
    cpg = pltpu.async_copy(gp_hbm.at[pl.ds(w * npp, npp)], g_v, sem)
    pltpu.async_copy(pk_hbm.at[0], pk_v.at[0], sem)
    cpg.wait()

    pvecs = [jnp.full((16,), p, jnp.int32) for p in range(npp)]
    rvecs = [jnp.full((16,), r, jnp.int32) for r in range(_FPW)]

    for p in range(npp):
        @functools.partial(plsc.parallel_loop, 0, _N // 16, unroll=1)
        def init(i):
            wv = g_v[p, pl.ds(i * 16, 16)]
            vlo, vhi = plsc.unpack(plsc.bitcast(wv, jnp.bfloat16),
                                   format=plsc.PackFormat.INTERLEAVED)
            acc_v[2 * p, pl.ds(i * 16, 16)] = vlo
            acc_v[2 * p + 1, pl.ds(i * 16, 16)] = vhi

    def chunk(c, carry):
        b = lax.rem(c, 2)
        pltpu.make_async_copy(pk_hbm.at[c], pk_v.at[b], sem).wait()

        @pl.when(c + 1 < nch)
        def _prefetch():
            pltpu.async_copy(pk_hbm.at[c + 1], pk_v.at[1 - b], sem)

        @functools.partial(plsc.parallel_loop, 0, _ECH // 16, unroll=1)
        def inner(i):
            p16 = pk_v[b, pl.ds(i * 16, 16)]
            s16, d16 = plsc.unpack(plsc.bitcast(p16, jnp.int16),
                                   format=plsc.PackFormat.INTERLEAVED)
            for p in range(npp):
                wv = plsc.load_gather(g_v, [pvecs[p], s16])
                vlo, vhi = plsc.unpack(plsc.bitcast(wv, jnp.bfloat16),
                                       format=plsc.PackFormat.INTERLEAVED)
                plsc.addupdate_scatter(acc_v, [rvecs[2 * p], d16], vlo)
                plsc.addupdate_scatter(acc_v, [rvecs[2 * p + 1], d16], vhi)
        return carry
    lax.fori_loop(0, nch, chunk, 0)
    pltpu.sync_copy(acc_v, out_hbm.at[pl.ds(w * _FPW, _FPW)])


def _aggregate(gp, packed):
    mesh = plsc.VectorSubcoreMesh(core_axis_name="c", subcore_axis_name="s")
    f = pl.kernel(
        _agg_body,
        out_type=jax.ShapeDtypeStruct((_D, _N), jnp.float32),
        mesh=mesh,
        scratch_types=[
            pltpu.VMEM((_FPW // 2, _N), jnp.int32),
            pltpu.VMEM((_FPW, _N), jnp.float32),
            pltpu.VMEM((2, _ECH), jnp.int32),
            pltpu.SemaphoreType.DMA,
        ],
        compiler_params=pltpu.CompilerParams(needs_layout_passes=False),
    )
    return f(gp, packed.reshape(_E // _ECH, _ECH))


def _pack_pairs(g_perm):
    he = g_perm[: _D // 2].astype(jnp.bfloat16)
    ho = g_perm[_D // 2:].astype(jnp.bfloat16)
    e32 = lax.bitcast_convert_type(he, jnp.uint16).astype(jnp.int32)
    o32 = lax.bitcast_convert_type(ho, jnp.uint16).astype(jnp.int32)
    return e32 | lax.shift_left(o32, 16)


def _tc1_body(x_ref, w1p_ref, degp_ref, src_ref, dst_ref,
              gp1_ref, ds_ref, pk_ref):
    deg = 1.0 + jnp.sum(degp_ref[...], axis=0, keepdims=True)
    ds = lax.rsqrt(deg)
    h = lax.dot_general(w1p_ref[...], x_ref[...], (((0,), (1,)), ((), ())),
                        preferred_element_type=jnp.float32)
    gp1_ref[...] = _pack_pairs(h * ds)
    ds_ref[...] = ds
    pk_ref[...] = src_ref[...] | (dst_ref[...] << 16)


def _tc1(x, W1p, degp, src, dst):
    _R = _E // 512
    gp1, ds, pk = pl.pallas_call(
        _tc1_body,
        out_shape=(jax.ShapeDtypeStruct((_D // 2, _N), jnp.int32),
                   jax.ShapeDtypeStruct((1, _N), jnp.float32),
                   jax.ShapeDtypeStruct((_R, 512), jnp.int32)),
    )(x, W1p, degp, src.reshape(_R, 512), dst.reshape(_R, 512))
    return gp1, ds, pk.reshape(_E)


def _bn_relu(o, gam, bet):
    mean = jnp.mean(o, axis=1, keepdims=True)
    var = jnp.mean((o - mean) ** 2, axis=1, keepdims=True)
    o = (o - mean) * lax.rsqrt(var + _EPS) * gam + bet
    return jnp.maximum(o, 0.0)


def _tc2_body(s1t_ref, ds_ref, b1_ref, gam_ref, bet_ref, w2p_ref, gp2_ref):
    ds = ds_ref[...]
    o = s1t_ref[...] * ds + b1_ref[...]
    o = _bn_relu(o, gam_ref[...], bet_ref[...])
    g2 = lax.dot_general(
        w2p_ref[...], o, (((0,), (0,)), ((), ())),
        preferred_element_type=jnp.float32) * ds
    gp2_ref[...] = _pack_pairs(g2)


def _tc2(s1t, ds, b1, gam, bet, W2p):
    return pl.pallas_call(
        _tc2_body,
        out_shape=jax.ShapeDtypeStruct((_D // 2, _N), jnp.int32),
    )(s1t, ds, b1, gam, bet, W2p)


def _tc3_body(s2t_ref, ds_ref, b2_ref, gam_ref, bet_ref, batch_ref,
              wc_ref, bc_ref, out_ref):
    o = s2t_ref[...] * ds_ref[...] + b2_ref[...]
    h = _bn_relu(o, gam_ref[...], bet_ref[...])
    gid = lax.broadcasted_iota(jnp.int32, (_G, _N), 0)
    sel = (batch_ref[...] == gid).astype(jnp.float32)
    sums = lax.dot_general(sel, h, (((1,), (1,)), ((), ())),
                           preferred_element_type=jnp.float32)
    counts = jnp.sum(sel, axis=1, keepdims=True)
    pooled = sums / jnp.maximum(counts, 1.0)
    out_ref[...] = jnp.dot(pooled, wc_ref[...],
                           preferred_element_type=jnp.float32) + bc_ref[...]


def _tc3(s2t, ds, b2, gam, bet, batch, Wc, bc):
    return pl.pallas_call(
        _tc3_body,
        out_shape=jax.ShapeDtypeStruct((_G, Wc.shape[1]), jnp.float32),
    )(s2t, ds, b2, gam, bet, batch, Wc, bc)


def kernel(x, edge_index, batch, W1, b1, gamma1, beta1,
           W2, b2, gamma2, beta2, Wc, bc):
    src = edge_index[0].astype(jnp.int32)
    dst = edge_index[1].astype(jnp.int32)
    batch_i = batch.astype(jnp.int32).reshape(1, _N)

    W1p = jnp.concatenate([W1[:, 0::2], W1[:, 1::2]], axis=1)
    W2p = jnp.concatenate([W2[:, 0::2], W2[:, 1::2]], axis=1)

    degp = _degrees(dst)
    gp1, ds, packed = _tc1(x, W1p, degp, src, dst)
    s1t = _aggregate(gp1, packed)
    g2t = _tc2(s1t, ds, b1.reshape(_D, 1), gamma1.reshape(_D, 1),
               beta1.reshape(_D, 1), W2p)
    s2t = _aggregate(g2t, packed)
    return _tc3(s2t, ds, b2.reshape(_D, 1), gamma2.reshape(_D, 1),
                beta2.reshape(_D, 1), batch_i, Wc, bc.reshape(1, -1))

# --- scband reference (transcript-rebuilt; emitter-appended) ---
"""Pipeline reference for scband-gcngraph-classifier-67018669687333 (READ-ONLY COPY).

The authoritative reference and input builder live on the scoring server;
editing this copy changes nothing except your own understanding.
"""

import jax, jax.numpy as jnp
import numpy as np

N_NODES = 10000
N_EDGES = 320000
D_IN = 128
D_HID = 128
D_OUT = 10
N_GRAPHS = 64
EPS = 1e-5


def setup_inputs(seed: int = 0) -> dict:
    key = jax.random.key(seed)
    ks = jax.random.split(key, 12)
    x = jax.random.normal(ks[0], (N_NODES, D_IN), dtype=jnp.float32)
    edge_index = jax.random.randint(ks[1], (2, N_EDGES), 0, N_NODES, dtype=jnp.int64)
    batch = jnp.sort(jax.random.randint(ks[2], (N_NODES,), 0, N_GRAPHS, dtype=jnp.int64))
    W1 = jax.random.normal(ks[3], (D_IN, D_HID), dtype=jnp.float32) * (1.0 / np.sqrt(D_IN))
    b1 = jnp.zeros((D_HID,), dtype=jnp.float32)
    gamma1 = jnp.ones((D_HID,), dtype=jnp.float32)
    beta1 = jnp.zeros((D_HID,), dtype=jnp.float32)
    W2 = jax.random.normal(ks[4], (D_HID, D_HID), dtype=jnp.float32) * (1.0 / np.sqrt(D_HID))
    b2 = jnp.zeros((D_HID,), dtype=jnp.float32)
    gamma2 = jnp.ones((D_HID,), dtype=jnp.float32)
    beta2 = jnp.zeros((D_HID,), dtype=jnp.float32)
    Wc = jax.random.normal(ks[5], (D_HID, D_OUT), dtype=jnp.float32) * (1.0 / np.sqrt(D_HID))
    bc = jnp.zeros((D_OUT,), dtype=jnp.float32)
    return {"x": x, "edge_index": edge_index, "batch": batch,
            "W1": W1, "b1": b1, "gamma1": gamma1, "beta1": beta1,
            "W2": W2, "b2": b2, "gamma2": gamma2, "beta2": beta2,
            "Wc": Wc, "bc": bc}


def _gcn_conv(x, src, dst, deg_inv_sqrt, W, b):
    # GCNConv: D^{-1/2} (A + I) D^{-1/2} X W + b  (self loops already in src/dst)
    h = x @ W
    norm = deg_inv_sqrt[src] * deg_inv_sqrt[dst]
    msgs = h[src] * norm[:, None]
    out = jnp.zeros_like(h).at[dst].add(msgs)
    return out + b


def _batchnorm(x, gamma, beta):
    mean = jnp.mean(x, axis=0)
    var = jnp.var(x, axis=0)
    return (x - mean) / jnp.sqrt(var + EPS) * gamma + beta


def reference(x, edge_index, batch, W1, b1, gamma1, beta1, W2, b2, gamma2, beta2, Wc, bc):
    n = x.shape[0]
    loops = jnp.arange(n, dtype=edge_index.dtype)
    src = jnp.concatenate([edge_index[0], loops])
    dst = jnp.concatenate([edge_index[1], loops])
    deg = jnp.zeros((n,), dtype=x.dtype).at[dst].add(1.0)
    deg_inv_sqrt = 1.0 / jnp.sqrt(deg)  # deg >= 1 due to self loops

    h = _gcn_conv(x, src, dst, deg_inv_sqrt, W1, b1)
    h = _batchnorm(h, gamma1, beta1)
    h = jax.nn.relu(h)
    # dropout is identity in eval mode
    h = _gcn_conv(h, src, dst, deg_inv_sqrt, W2, b2)
    h = _batchnorm(h, gamma2, beta2)
    h = jax.nn.relu(h)

    sums = jax.ops.segment_sum(h, batch, num_segments=N_GRAPHS)
    counts = jax.ops.segment_sum(jnp.ones((n,), dtype=h.dtype), batch, num_segments=N_GRAPHS)
    pooled = sums / jnp.maximum(counts, 1.0)[:, None]
    return pooled @ Wc + bc

if __name__ == "__main__":
    import jax
    _d = setup_inputs()
    print(jax.jit(kernel)(*tuple(_d.values())))

</pallas_src>

<mosaic_0001>
#map = affine_map<(d0, d1) -> (0, 0)>
module attributes {stable_mosaic.version = 14 : i64} {
  func.func @_agg_body(%arg0: i32, %arg1: i32, %arg2: memref<64x10000xi32, #tpu.memory_space<hbm>>, %arg3: memref<80x4000xi32, #tpu.memory_space<hbm>>, %arg4: memref<128x10000xf32, #tpu.memory_space<hbm>>, %arg5: memref<2x10000xi32, #tpu.memory_space<vmem>>, %arg6: memref<4x10000xf32, #tpu.memory_space<vmem>>, %arg7: memref<2x4000xi32, #tpu.memory_space<vmem>>, %arg8: memref<!tpu.dma_semaphore, #tpu.memory_space<semaphore_mem>>) attributes {dimension_semantics = [#tpu.dimension_semantics<core_parallel>, #tpu.dimension_semantics<subcore_parallel>], iteration_bounds = array<i64: 2, 16>, scalar_prefetch = 0 : i64, scratch_operands = 4 : i64, tpu.core_type = #tpu.core_type<sc_vector_subcore>, window_params = [{transform_indices = #map}, {transform_indices = #map}, {transform_indices = #map}]} {
    %mul3A = arith.constant 2 : i32
    %mul3A_0 = arith.muli %arg1, %mul3A : i32
    %add3A = arith.addi %mul3A_0, %arg0 : i32
    %mul3A_1 = arith.constant 2 : i32
    %mul3A_2 = arith.muli %add3A, %mul3A_1 : i32
    %dma_start3A = arith.constant 0 : i32
    %dma_start3A_3 = tpu.memref_slice %arg2[%mul3A_2, %dma_start3A] : memref<64x10000xi32, #tpu.memory_space<hbm>> -> memref<2x10000xi32, #tpu.memory_space<hbm>>
    %dma_start3A_4 = arith.constant 0 : i32
    %dma_start3A_5 = tpu.memref_slice %arg2[%mul3A_2, %dma_start3A_4] : memref<64x10000xi32, #tpu.memory_space<hbm>> -> memref<2x10000xi32, #tpu.memory_space<hbm>>
    tpu.enqueue_dma source(%dma_start3A_5 : memref<2x10000xi32, #tpu.memory_space<hbm>>) target(%arg5 : memref<2x10000xi32, #tpu.memory_space<vmem>>) target_semaphore(%arg8 : memref<!tpu.dma_semaphore, #tpu.memory_space<semaphore_mem>>)
    %dma_start3A_6 = arith.constant 0 : i32
    %dma_start3A_7 = arith.constant 0 : i32
    %dma_start3A_8 = arith.constant 0 : i32
    %dma_start3A_9 = tpu.memref_slice %arg7[%dma_start3A_7, %dma_start3A_8] : memref<2x4000xi32, #tpu.memory_space<vmem>> -> memref<1x4000xi32, #tpu.memory_space<vmem>>
    %dma_start3A_10 = tpu.memref_squeeze %dma_start3A_9 : memref<1x4000xi32, #tpu.memory_space<vmem>> -> memref<4000xi32, #tpu.memory_space<vmem>>
    %dma_start3A_11 = arith.constant 0 : i32
    %dma_start3A_12 = tpu.memref_slice %arg3[%dma_start3A_6, %dma_start3A_11] : memref<80x4000xi32, #tpu.memory_space<hbm>> -> memref<1x4000xi32, #tpu.memory_space<hbm>>
    %dma_start3A_13 = tpu.memref_squeeze %dma_start3A_12 : memref<1x4000xi32, #tpu.memory_space<hbm>> -> memref<4000xi32, #tpu.memory_space<hbm>>
    %dma_start3A_14 = arith.constant 0 : i32
    %dma_start3A_15 = tpu.memref_slice %arg7[%dma_start3A_7, %dma_start3A_14] : memref<2x4000xi32, #tpu.memory_space<vmem>> -> memref<1x4000xi32, #tpu.memory_space<vmem>>
    %dma_start3A_16 = tpu.memref_squeeze %dma_start3A_15 : memref<1x4000xi32, #tpu.memory_space<vmem>> -> memref<4000xi32, #tpu.memory_space<vmem>>
    %dma_start3A_17 = arith.constant 0 : i32
    %dma_start3A_18 = tpu.memref_slice %arg3[%dma_start3A_6, %dma_start3A_17] : memref<80x4000xi32, #tpu.memory_space<hbm>> -> memref<1x4000xi32, #tpu.memory_space<hbm>>
    %dma_start3A_19 = tpu.memref_squeeze %dma_start3A_18 : memref<1x4000xi32, #tpu.memory_space<hbm>> -> memref<4000xi32, #tpu.memory_space<hbm>>
    tpu.enqueue_dma source(%dma_start3A_19 : memref<4000xi32, #tpu.memory_space<hbm>>) target(%dma_start3A_16 : memref<4000xi32, #tpu.memory_space<vmem>>) target_semaphore(%arg8 : memref<!tpu.dma_semaphore, #tpu.memory_space<semaphore_mem>>)
    %dma_wait3A = arith.constant 0 : i32
    %dma_wait3A_20 = tpu.memref_slice %arg2[%mul3A_2, %dma_wait3A] : memref<64x10000xi32, #tpu.memory_space<hbm>> -> memref<2x10000xi32, #tpu.memory_space<hbm>>
    %dma_wait3A_21 = arith.constant 0 : i32
    %dma_wait3A_22 = tpu.memref_slice %arg2[%mul3A_2, %dma_wait3A_21] : memref<64x10000xi32, #tpu.memory_space<hbm>> -> memref<2x10000xi32, #tpu.memory_space<hbm>>
    tpu.wait_dma2 semaphore(%arg8 : memref<!tpu.dma_semaphore, #tpu.memory_space<semaphore_mem>>) src(%dma_wait3A_22 : memref<2x10000xi32, #tpu.memory_space<hbm>>) dst(%arg5 : memref<2x10000xi32, #tpu.memory_space<vmem>>)
    %broadcast_in_dim3A = arith.constant 0 : i32
    %broadcast_in_dim3A_23 = vector.broadcast %broadcast_in_dim3A : i32 to vector<16xi32>
    %broadcast_in_dim3A_24 = arith.constant 1 : i32
    %broadcast_in_dim3A_25 = vector.broadcast %broadcast_in_dim3A_24 : i32 to vector<16xi32>
    %broadcast_in_dim3A_26 = arith.constant 0 : i32
    %broadcast_in_dim3A_27 = vector.broadcast %broadcast_in_dim3A_26 : i32 to vector<16xi32>
    %broadcast_in_dim3A_28 = arith.constant 1 : i32
    %broadcast_in_dim3A_29 = vector.broadcast %broadcast_in_dim3A_28 : i32 to vector<16xi32>
    %broadcast_in_dim3A_30 = arith.constant 2 : i32
    %broadcast_in_dim3A_31 = vector.broadcast %broadcast_in_dim3A_30 : i32 to vector<16xi32>
    %broadcast_in_dim3A_32 = arith.constant 3 : i32
    %broadcast_in_dim3A_33 = vector.broadcast %broadcast_in_dim3A_32 : i32 to vector<16xi32>
    %scan3A = arith.constant 0 : i32
    %scan3A_34 = arith.constant 0 : i32
    %scan3A_35 = arith.constant 80 : i32
    %scan3A_36 = arith.addi %scan3A_34, %scan3A_35 : i32
    %scan3A_37 = arith.constant 1 : i32
    scf.for %scan3A_41 = %scan3A_34 to %scan3A_36 step %scan3A_37  : i32 {
      %rem3A = arith.constant 2 : i32
      %rem3A_42 = arith.remsi %scan3A_41, %rem3A : i32
      %dma_wait3A_43 = arith.constant 0 : i32
      %dma_wait3A_44 = tpu.memref_slice %arg7[%rem3A_42, %dma_wait3A_43] : memref<2x4000xi32, #tpu.memory_space<vmem>> -> memref<1x4000xi32, #tpu.memory_space<vmem>>
      %dma_wait3A_45 = tpu.memref_squeeze %dma_wait3A_44 : memref<1x4000xi32, #tpu.memory_space<vmem>> -> memref<4000xi32, #tpu.memory_space<vmem>>
      %dma_wait3A_46 = arith.constant 0 : i32
      %dma_wait3A_47 = tpu.memref_slice %arg3[%scan3A_41, %dma_wait3A_46] : memref<80x4000xi32, #tpu.memory_space<hbm>> -> memref<1x4000xi32, #tpu.memory_space<hbm>>
      %dma_wait3A_48 = tpu.memref_squeeze %dma_wait3A_47 : memref<1x4000xi32, #tpu.memory_space<hbm>> -> memref<4000xi32, #tpu.memory_space<hbm>>
      %dma_wait3A_49 = arith.constant 0 : i32
      %dma_wait3A_50 = tpu.memref_slice %arg7[%rem3A_42, %dma_wait3A_49] : memref<2x4000xi32, #tpu.memory_space<vmem>> -> memref<1x4000xi32, #tpu.memory_space<vmem>>
      %dma_wait3A_51 = tpu.memref_squeeze %dma_wait3A_50 : memref<1x4000xi32, #tpu.memory_space<vmem>> -> memref<4000xi32, #tpu.memory_space<vmem>>
      %dma_wait3A_52 = arith.constant 0 : i32
      %dma_wait3A_53 = tpu.memref_slice %arg3[%scan3A_41, %dma_wait3A_52] : memref<80x4000xi32, #tpu.memory_space<hbm>> -> memref<1x4000xi32, #tpu.memory_space<hbm>>
      %dma_wait3A_54 = tpu.memref_squeeze %dma_wait3A_53 : memref<1x4000xi32, #tpu.memory_space<hbm>> -> memref<4000xi32, #tpu.memory_space<hbm>>
      tpu.wait_dma2 semaphore(%arg8 : memref<!tpu.dma_semaphore, #tpu.memory_space<semaphore_mem>>) src(%dma_wait3A_54 : memref<4000xi32, #tpu.memory_space<hbm>>) dst(%dma_wait3A_51 : memref<4000xi32, #tpu.memory_space<vmem>>)
      %add3A_55 = arith.constant 1 : i32
      %add3A_56 = arith.addi %scan3A_41, %add3A_55 : i32
      %lt3A = arith.constant 80 : i32
      %lt3A_57 = arith.cmpi slt, %add3A_56, %lt3A : i32
      %convert_element_type3A = arith.extui %lt3A_57 : i1 to i32
      %cond3A = arith.constant 0 : i32
      %cond3A_58 = arith.cmpi ne, %convert_element_type3A, %cond3A : i32
      scf.if %cond3A_58 {
        %add3A_59 = arith.constant 1 : i32
        %add3A_60 = arith.addi %scan3A_41, %add3A_59 : i32
        %sub3A = arith.constant 1 : i32
        %sub3A_61 = arith.subi %sub3A, %rem3A_42 : i32
        %dma_start3A_62 = arith.constant 0 : i32
        %dma_start3A_63 = tpu.memref_slice %arg7[%sub3A_61, %dma_start3A_62] : memref<2x4000xi32, #tpu.memory_space<vmem>> -> memref<1x4000xi32, #tpu.memory_space<vmem>>
        %dma_start3A_64 = tpu.memref_squeeze %dma_start3A_63 : memref<1x4000xi32, #tpu.memory_space<vmem>> -> memref<4000xi32, #tpu.memory_space<vmem>>
        %dma_start3A_65 = arith.constant 0 : i32
        %dma_start3A_66 = tpu.memref_slice %arg3[%add3A_60, %dma_start3A_65] : memref<80x4000xi32, #tpu.memory_space<hbm>> -> memref<1x4000xi32, #tpu.memory_space<hbm>>
        %dma_start3A_67 = tpu.memref_squeeze %dma_start3A_66 : memref<1x4000xi32, #tpu.memory_space<hbm>> -> memref<4000xi32, #tpu.memory_space<hbm>>
        %dma_start3A_68 = arith.constant 0 : i32
        %dma_start3A_69 = tpu.memref_slice %arg7[%sub3A_61, %dma_start3A_68] : memref<2x4000xi32, #tpu.memory_space<vmem>> -> memref<1x4000xi32, #tpu.memory_space<vmem>>
        %dma_start3A_70 = tpu.memref_squeeze %dma_start3A_69 : memref<1x4000xi32, #tpu.memory_space<vmem>> -> memref<4000xi32, #tpu.memory_space<vmem>>
        %dma_start3A_71 = arith.constant 0 : i32
        %dma_start3A_72 = tpu.memref_slice %arg3[%add3A_60, %dma_start3A_71] : memref<80x4000xi32, #tpu.memory_space<hbm>> -> memref<1x4000xi32, #tpu.memory_space<hbm>>
        %dma_start3A_73 = tpu.memref_squeeze %dma_start3A_72 : memref<1x4000xi32, #tpu.memory_space<hbm>> -> memref<4000xi32, #tpu.memory_space<hbm>>
        tpu.enqueue_dma source(%dma_start3A_73 : memref<4000xi32, #tpu.memory_space<hbm>>) target(%dma_start3A_70 : memref<4000xi32, #tpu.memory_space<vmem>>) target_semaphore(%arg8 : memref<!tpu.dma_semaphore, #tpu.memory_space<semaphore_mem>>)
      } else {
      }
    }
    %scan3A_38 = arith.constant 80 : i32
    %mul3A_39 = arith.constant 4 : i32
    %mul3A_40 = arith.muli %add3A, %mul3A_39 : i32
    "tpu.region"() ({
      %run_scoped3A = tpu.sem_alloc : memref<!tpu.dma_semaphore, #tpu.memory_space<semaphore_mem>>
      %dma_start3A_41 = arith.constant 0 : i32
      %dma_start3A_42 = tpu.memref_slice %arg4[%mul3A_40, %dma_start3A_41] : memref<128x10000xf32, #tpu.memory_space<hbm>> -> memref<4x10000xf32, #tpu.memory_space<hbm>>
      %dma_start3A_43 = arith.constant 0 : i32
      %dma_start3A_44 = tpu.memref_slice %arg4[%mul3A_40, %dma_start3A_43] : memref<128x10000xf32, #tpu.memory_space<hbm>> -> memref<4x10000xf32, #tpu.memory_space<hbm>>
      tpu.enqueue_dma source(%arg6 : memref<4x10000xf32, #tpu.memory_space<vmem>>) target(%dma_start3A_44 : memref<4x10000xf32, #tpu.memory_space<hbm>>) target_semaphore(%run_scoped3A : memref<!tpu.dma_semaphore, #tpu.memory_space<semaphore_mem>>)
      %dma_wait3A_45 = arith.constant 0 : i32
      %dma_wait3A_46 = tpu.memref_slice %arg4[%mul3A_40, %dma_wait3A_45] : memref<128x10000xf32, #tpu.memory_space<hbm>> -> memref<4x10000xf32, #tpu.memory_space<hbm>>
      %dma_wait3A_47 = arith.constant 0 : i32
      %dma_wait3A_48 = tpu.memref_slice %arg4[%mul3A_40, %dma_wait3A_47] : memref<128x10000xf32, #tpu.memory_space<hbm>> -> memref<4x10000xf32, #tpu.memory_space<hbm>>
      tpu.wait_dma2 semaphore(%run_scoped3A : memref<!tpu.dma_semaphore, #tpu.memory_space<semaphore_mem>>) src(%arg6 : memref<4x10000xf32, #tpu.memory_space<vmem>>) dst(%dma_wait3A_48 : memref<4x10000xf32, #tpu.memory_space<hbm>>)
      tpu.yield
    }) : () -> ()
    return
  }
}

#map = affine_map<(d0, d1) -> (0)>
#map1 = affine_map<(d0, d1) -> (0, 0)>
module attributes {stable_mosaic.version = 14 : i64} {
  func.func @_deg_body(%arg0: i32, %arg1: i32, %arg2: memref<320000xi32, #tpu.memory_space<hbm>>, %arg3: memref<32x10000xf32, #tpu.memory_space<hbm>>, %arg4: memref<10000xi32, #tpu.memory_space<vmem>>, %arg5: memref<10000xf32, #tpu.memory_space<vmem>>) attributes {dimension_semantics = [#tpu.dimension_semantics<core_parallel>, #tpu.dimension_semantics<subcore_parallel>], iteration_bounds = array<i64: 2, 16>, scalar_prefetch = 0 : i64, scratch_operands = 2 : i64, tpu.core_type = #tpu.core_type<sc_vector_subcore>, window_params = [{transform_indices = #map}, {transform_indices = #map1}]} {
    %mul3A = arith.constant 2 : i32
    %mul3A_0 = arith.muli %arg1, %mul3A : i32
    %add3A = arith.addi %mul3A_0, %arg0 : i32
    %mul3A_1 = arith.constant 10000 : i32
    %mul3A_2 = arith.muli %add3A, %mul3A_1 : i32
    "tpu.region"() ({
      %run_scoped3A = tpu.sem_alloc : memref<!tpu.dma_semaphore, #tpu.memory_space<semaphore_mem>>
      %dma_start3A = tpu.memref_slice %arg2[%mul3A_2] : memref<320000xi32, #tpu.memory_space<hbm>> -> memref<10000xi32, #tpu.memory_space<hbm>>
      %dma_start3A_4 = tpu.memref_slice %arg2[%mul3A_2] : memref<320000xi32, #tpu.memory_space<hbm>> -> memref<10000xi32, #tpu.memory_space<hbm>>
      tpu.enqueue_dma source(%dma_start3A_4 : memref<10000xi32, #tpu.memory_space<hbm>>) target(%arg4 : memref<10000xi32, #tpu.memory_space<vmem>>) target_semaphore(%run_scoped3A : memref<!tpu.dma_semaphore, #tpu.memory_space<semaphore_mem>>)
      %dma_wait3A = tpu.memref_slice %arg2[%mul3A_2] : memref<320000xi32, #tpu.memory_space<hbm>> -> memref<10000xi32, #tpu.memory_space<hbm>>
      %dma_wait3A_5 = tpu.memref_slice %arg2[%mul3A_2] : memref<320000xi32, #tpu.memory_space<hbm>> -> memref<10000xi32, #tpu.memory_space<hbm>>
      tpu.wait_dma2 semaphore(%run_scoped3A : memref<!tpu.dma_semaphore, #tpu.memory_space<semaphore_mem>>) src(%dma_wait3A_5 : memref<10000xi32, #tpu.memory_space<hbm>>) dst(%arg4 : memref<10000xi32, #tpu.memory_space<vmem>>)
      tpu.yield
    }) : () -> ()
    %broadcast_in_dim3A = arith.constant 1.000000e+00 : f32
    %broadcast_in_dim3A_3 = vector.broadcast %broadcast_in_dim3A : f32 to vector<16xf32>
    "tpu.region"() ({
      %run_scoped3A = tpu.sem_alloc : memref<!tpu.dma_semaphore, #tpu.memory_space<semaphore_mem>>
      %dma_start3A = arith.constant 0 : i32
      %dma_start3A_4 = tpu.memref_slice %arg3[%add3A, %dma_start3A] : memref<32x10000xf32, #tpu.memory_space<hbm>> -> memref<1x10000xf32, #tpu.memory_space<hbm>>
      %dma_start3A_5 = tpu.memref_squeeze %dma_start3A_4 : memref<1x10000xf32, #tpu.memory_space<hbm>> -> memref<10000xf32, #tpu.memory_space<hbm>>
      %dma_start3A_6 = arith.constant 0 : i32
      %dma_start3A_7 = tpu.memref_slice %arg3[%add3A, %dma_start3A_6] : memref<32x10000xf32, #tpu.memory_space<hbm>> -> memref<1x10000xf32, #tpu.memory_space<hbm>>
      %dma_start3A_8 = tpu.memref_squeeze %dma_start3A_7 : memref<1x10000xf32, #tpu.memory_space<hbm>> -> memref<10000xf32, #tpu.memory_space<hbm>>
      tpu.enqueue_dma source(%arg5 : memref<10000xf32, #tpu.memory_space<vmem>>) target(%dma_start3A_8 : memref<10000xf32, #tpu.memory_space<hbm>>) target_semaphore(%run_scoped3A : memref<!tpu.dma_semaphore, #tpu.memory_space<semaphore_mem>>)
      %dma_wait3A = arith.constant 0 : i32
      %dma_wait3A_9 = tpu.memref_slice %arg3[%add3A, %dma_wait3A] : memref<32x10000xf32, #tpu.memory_space<hbm>> -> memref<1x10000xf32, #tpu.memory_space<hbm>>
      %dma_wait3A_10 = tpu.memref_squeeze %dma_wait3A_9 : memref<1x10000xf32, #tpu.memory_space<hbm>> -> memref<10000xf32, #tpu.memory_space<hbm>>
      %dma_wait3A_11 = arith.constant 0 : i32
      %dma_wait3A_12 = tpu.memref_slice %arg3[%add3A, %dma_wait3A_11] : memref<32x10000xf32, #tpu.memory_space<hbm>> -> memref<1x10000xf32, #tpu.memory_space<hbm>>
      %dma_wait3A_13 = tpu.memref_squeeze %dma_wait3A_12 : memref<1x10000xf32, #tpu.memory_space<hbm>> -> memref<10000xf32, #tpu.memory_space<hbm>>
      tpu.wait_dma2 semaphore(%run_scoped3A : memref<!tpu.dma_semaphore, #tpu.memory_space<semaphore_mem>>) src(%arg5 : memref<10000xf32, #tpu.memory_space<vmem>>) dst(%dma_wait3A_13 : memref<10000xf32, #tpu.memory_space<hbm>>)
      tpu.yield
    }) : () -> ()
    return
  }
}

#map = affine_map<(d0, d1) -> (0, 0)>
module attributes {stable_mosaic.version = 14 : i64} {
  func.func @_agg_body(%arg0: i32, %arg1: i32, %arg2: memref<64x10000xi32, #tpu.memory_space<hbm>>, %arg3: memref<80x4000xi32, #tpu.memory_space<hbm>>, %arg4: memref<128x10000xf32, #tpu.memory_space<hbm>>, %arg5: memref<2x10000xi32, #tpu.memory_space<vmem>>, %arg6: memref<4x10000xf32, #tpu.memory_space<vmem>>, %arg7: memref<2x4000xi32, #tpu.memory_space<vmem>>, %arg8: memref<!tpu.dma_semaphore, #tpu.memory_space<semaphore_mem>>) attributes {dimension_semantics = [#tpu.dimension_semantics<core_parallel>, #tpu.dimension_semantics<subcore_parallel>], iteration_bounds = array<i64: 2, 16>, scalar_prefetch = 0 : i64, scratch_operands = 4 : i64, tpu.core_type = #tpu.core_type<sc_vector_subcore>, window_params = [{transform_indices = #map}, {transform_indices = #map}, {transform_indices = #map}]} {
    %mul3A = arith.constant 2 : i32
    %mul3A_0 = arith.muli %arg1, %mul3A : i32
    %add3A = arith.addi %mul3A_0, %arg0 : i32
    %mul3A_1 = arith.constant 2 : i32
    %mul3A_2 = arith.muli %add3A, %mul3A_1 : i32
    %dma_start3A = arith.constant 0 : i32
    %dma_start3A_3 = tpu.memref_slice %arg2[%mul3A_2, %dma_start3A] : memref<64x10000xi32, #tpu.memory_space<hbm>> -> memref<2x10000xi32, #tpu.memory_space<hbm>>
    %dma_start3A_4 = arith.constant 0 : i32
    %dma_start3A_5 = tpu.memref_slice %arg2[%mul3A_2, %dma_start3A_4] : memref<64x10000xi32, #tpu.memory_space<hbm>> -> memref<2x10000xi32, #tpu.memory_space<hbm>>
    tpu.enqueue_dma source(%dma_start3A_5 : memref<2x10000xi32, #tpu.memory_space<hbm>>) target(%arg5 : memref<2x10000xi32, #tpu.memory_space<vmem>>) target_semaphore(%arg8 : memref<!tpu.dma_semaphore, #tpu.memory_space<semaphore_mem>>)
    %dma_start3A_6 = arith.constant 0 : i32
    %dma_start3A_7 = arith.constant 0 : i32
    %dma_start3A_8 = arith.constant 0 : i32
    %dma_start3A_9 = tpu.memref_slice %arg7[%dma_start3A_7, %dma_start3A_8] : memref<2x4000xi32, #tpu.memory_space<vmem>> -> memref<1x4000xi32, #tpu.memory_space<vmem>>
    %dma_start3A_10 = tpu.memref_squeeze %dma_start3A_9 : memref<1x4000xi32, #tpu.memory_space<vmem>> -> memref<4000xi32, #tpu.memory_space<vmem>>
    %dma_start3A_11 = arith.constant 0 : i32
    %dma_start3A_12 = tpu.memref_slice %arg3[%dma_start3A_6, %dma_start3A_11] : memref<80x4000xi32, #tpu.memory_space<hbm>> -> memref<1x4000xi32, #tpu.memory_space<hbm>>
    %dma_start3A_13 = tpu.memref_squeeze %dma_start3A_12 : memref<1x4000xi32, #tpu.memory_space<hbm>> -> memref<4000xi32, #tpu.memory_space<hbm>>
    %dma_start3A_14 = arith.constant 0 : i32
    %dma_start3A_15 = tpu.memref_slice %arg7[%dma_start3A_7, %dma_start3A_14] : memref<2x4000xi32, #tpu.memory_space<vmem>> -> memref<1x4000xi32, #tpu.memory_space<vmem>>
    %dma_start3A_16 = tpu.memref_squeeze %dma_start3A_15 : memref<1x4000xi32, #tpu.memory_space<vmem>> -> memref<4000xi32, #tpu.memory_space<vmem>>
    %dma_start3A_17 = arith.constant 0 : i32
    %dma_start3A_18 = tpu.memref_slice %arg3[%dma_start3A_6, %dma_start3A_17] : memref<80x4000xi32, #tpu.memory_space<hbm>> -> memref<1x4000xi32, #tpu.memory_space<hbm>>
    %dma_start3A_19 = tpu.memref_squeeze %dma_start3A_18 : memref<1x4000xi32, #tpu.memory_space<hbm>> -> memref<4000xi32, #tpu.memory_space<hbm>>
    tpu.enqueue_dma source(%dma_start3A_19 : memref<4000xi32, #tpu.memory_space<hbm>>) target(%dma_start3A_16 : memref<4000xi32, #tpu.memory_space<vmem>>) target_semaphore(%arg8 : memref<!tpu.dma_semaphore, #tpu.memory_space<semaphore_mem>>)
    %dma_wait3A = arith.constant 0 : i32
    %dma_wait3A_20 = tpu.memref_slice %arg2[%mul3A_2, %dma_wait3A] : memref<64x10000xi32, #tpu.memory_space<hbm>> -> memref<2x10000xi32, #tpu.memory_space<hbm>>
    %dma_wait3A_21 = arith.constant 0 : i32
    %dma_wait3A_22 = tpu.memref_slice %arg2[%mul3A_2, %dma_wait3A_21] : memref<64x10000xi32, #tpu.memory_space<hbm>> -> memref<2x10000xi32, #tpu.memory_space<hbm>>
    tpu.wait_dma2 semaphore(%arg8 : memref<!tpu.dma_semaphore, #tpu.memory_space<semaphore_mem>>) src(%dma_wait3A_22 : memref<2x10000xi32, #tpu.memory_space<hbm>>) dst(%arg5 : memref<2x10000xi32, #tpu.memory_space<vmem>>)
    %broadcast_in_dim3A = arith.constant 0 : i32
    %broadcast_in_dim3A_23 = vector.broadcast %broadcast_in_dim3A : i32 to vector<16xi32>
    %broadcast_in_dim3A_24 = arith.constant 1 : i32
    %broadcast_in_dim3A_25 = vector.broadcast %broadcast_in_dim3A_24 : i32 to vector<16xi32>
    %broadcast_in_dim3A_26 = arith.constant 0 : i32
    %broadcast_in_dim3A_27 = vector.broadcast %broadcast_in_dim3A_26 : i32 to vector<16xi32>
    %broadcast_in_dim3A_28 = arith.constant 1 : i32
    %broadcast_in_dim3A_29 = vector.broadcast %broadcast_in_dim3A_28 : i32 to vector<16xi32>
    %broadcast_in_dim3A_30 = arith.constant 2 : i32
    %broadcast_in_dim3A_31 = vector.broadcast %broadcast_in_dim3A_30 : i32 to vector<16xi32>
    %broadcast_in_dim3A_32 = arith.constant 3 : i32
    %broadcast_in_dim3A_33 = vector.broadcast %broadcast_in_dim3A_32 : i32 to vector<16xi32>
    %scan3A = arith.constant 0 : i32
    %scan3A_34 = arith.constant 0 : i32
    %scan3A_35 = arith.constant 80 : i32
    %scan3A_36 = arith.addi %scan3A_34, %scan3A_35 : i32
    %scan3A_37 = arith.constant 1 : i32
    scf.for %scan3A_41 = %scan3A_34 to %scan3A_36 step %scan3A_37  : i32 {
      %rem3A = arith.constant 2 : i32
      %rem3A_42 = arith.remsi %scan3A_41, %rem3A : i32
      %dma_wait3A_43 = arith.constant 0 : i32
      %dma_wait3A_44 = tpu.memref_slice %arg7[%rem3A_42, %dma_wait3A_43] : memref<2x4000xi32, #tpu.memory_space<vmem>> -> memref<1x4000xi32, #tpu.memory_space<vmem>>
      %dma_wait3A_45 = tpu.memref_squeeze %dma_wait3A_44 : memref<1x4000xi32, #tpu.memory_space<vmem>> -> memref<4000xi32, #tpu.memory_space<vmem>>
      %dma_wait3A_46 = arith.constant 0 : i32
      %dma_wait3A_47 = tpu.memref_slice %arg3[%scan3A_41, %dma_wait3A_46] : memref<80x4000xi32, #tpu.memory_space<hbm>> -> memref<1x4000xi32, #tpu.memory_space<hbm>>
      %dma_wait3A_48 = tpu.memref_squeeze %dma_wait3A_47 : memref<1x4000xi32, #tpu.memory_space<hbm>> -> memref<4000xi32, #tpu.memory_space<hbm>>
      %dma_wait3A_49 = arith.constant 0 : i32
      %dma_wait3A_50 = tpu.memref_slice %arg7[%rem3A_42, %dma_wait3A_49] : memref<2x4000xi32, #tpu.memory_space<vmem>> -> memref<1x4000xi32, #tpu.memory_space<vmem>>
      %dma_wait3A_51 = tpu.memref_squeeze %dma_wait3A_50 : memref<1x4000xi32, #tpu.memory_space<vmem>> -> memref<4000xi32, #tpu.memory_space<vmem>>
      %dma_wait3A_52 = arith.constant 0 : i32
      %dma_wait3A_53 = tpu.memref_slice %arg3[%scan3A_41, %dma_wait3A_52] : memref<80x4000xi32, #tpu.memory_space<hbm>> -> memref<1x4000xi32, #tpu.memory_space<hbm>>
      %dma_wait3A_54 = tpu.memref_squeeze %dma_wait3A_53 : memref<1x4000xi32, #tpu.memory_space<hbm>> -> memref<4000xi32, #tpu.memory_space<hbm>>
      tpu.wait_dma2 semaphore(%arg8 : memref<!tpu.dma_semaphore, #tpu.memory_space<semaphore_mem>>) src(%dma_wait3A_54 : memref<4000xi32, #tpu.memory_space<hbm>>) dst(%dma_wait3A_51 : memref<4000xi32, #tpu.memory_space<vmem>>)
      %add3A_55 = arith.constant 1 : i32
      %add3A_56 = arith.addi %scan3A_41, %add3A_55 : i32
      %lt3A = arith.constant 80 : i32
      %lt3A_57 = arith.cmpi slt, %add3A_56, %lt3A : i32
      %convert_element_type3A = arith.extui %lt3A_57 : i1 to i32
      %cond3A = arith.constant 0 : i32
      %cond3A_58 = arith.cmpi ne, %convert_element_type3A, %cond3A : i32
      scf.if %cond3A_58 {
        %add3A_59 = arith.constant 1 : i32
        %add3A_60 = arith.addi %scan3A_41, %add3A_59 : i32
        %sub3A = arith.constant 1 : i32
        %sub3A_61 = arith.subi %sub3A, %rem3A_42 : i32
        %dma_start3A_62 = arith.constant 0 : i32
        %dma_start3A_63 = tpu.memref_slice %arg7[%sub3A_61, %dma_start3A_62] : memref<2x4000xi32, #tpu.memory_space<vmem>> -> memref<1x4000xi32, #tpu.memory_space<vmem>>
        %dma_start3A_64 = tpu.memref_squeeze %dma_start3A_63 : memref<1x4000xi32, #tpu.memory_space<vmem>> -> memref<4000xi32, #tpu.memory_space<vmem>>
        %dma_start3A_65 = arith.constant 0 : i32
        %dma_start3A_66 = tpu.memref_slice %arg3[%add3A_60, %dma_start3A_65] : memref<80x4000xi32, #tpu.memory_space<hbm>> -> memref<1x4000xi32, #tpu.memory_space<hbm>>
        %dma_start3A_67 = tpu.memref_squeeze %dma_start3A_66 : memref<1x4000xi32, #tpu.memory_space<hbm>> -> memref<4000xi32, #tpu.memory_space<hbm>>
        %dma_start3A_68 = arith.constant 0 : i32
        %dma_start3A_69 = tpu.memref_slice %arg7[%sub3A_61, %dma_start3A_68] : memref<2x4000xi32, #tpu.memory_space<vmem>> -> memref<1x4000xi32, #tpu.memory_space<vmem>>
        %dma_start3A_70 = tpu.memref_squeeze %dma_start3A_69 : memref<1x4000xi32, #tpu.memory_space<vmem>> -> memref<4000xi32, #tpu.memory_space<vmem>>
        %dma_start3A_71 = arith.constant 0 : i32
        %dma_start3A_72 = tpu.memref_slice %arg3[%add3A_60, %dma_start3A_71] : memref<80x4000xi32, #tpu.memory_space<hbm>> -> memref<1x4000xi32, #tpu.memory_space<hbm>>
        %dma_start3A_73 = tpu.memref_squeeze %dma_start3A_72 : memref<1x4000xi32, #tpu.memory_space<hbm>> -> memref<4000xi32, #tpu.memory_space<hbm>>
        tpu.enqueue_dma source(%dma_start3A_73 : memref<4000xi32, #tpu.memory_space<hbm>>) target(%dma_start3A_70 : memref<4000xi32, #tpu.memory_space<vmem>>) target_semaphore(%arg8 : memref<!tpu.dma_semaphore, #tpu.memory_space<semaphore_mem>>)
      } else {
      }
    }
    %scan3A_38 = arith.constant 80 : i32
    %mul3A_39 = arith.constant 4 : i32
    %mul3A_40 = arith.muli %add3A, %mul3A_39 : i32
    "tpu.region"() ({
      %run_scoped3A = tpu.sem_alloc : memref<!tpu.dma_semaphore, #tpu.memory_space<semaphore_mem>>
      %dma_start3A_41 = arith.constant 0 : i32
      %dma_start3A_42 = tpu.memref_slice %arg4[%mul3A_40, %dma_start3A_41] : memref<128x10000xf32, #tpu.memory_space<hbm>> -> memref<4x10000xf32, #tpu.memory_space<hbm>>
      %dma_start3A_43 = arith.constant 0 : i32
      %dma_start3A_44 = tpu.memref_slice %arg4[%mul3A_40, %dma_start3A_43] : memref<128x10000xf32, #tpu.memory_space<hbm>> -> memref<4x10000xf32, #tpu.memory_space<hbm>>
      tpu.enqueue_dma source(%arg6 : memref<4x10000xf32, #tpu.memory_space<vmem>>) target(%dma_start3A_44 : memref<4x10000xf32, #tpu.memory_space<hbm>>) target_semaphore(%run_scoped3A : memref<!tpu.dma_semaphore, #tpu.memory_space<semaphore_mem>>)
      %dma_wait3A_45 = arith.constant 0 : i32
      %dma_wait3A_46 = tpu.memref_slice %arg4[%mul3A_40, %dma_wait3A_45] : memref<128x10000xf32, #tpu.memory_space<hbm>> -> memref<4x10000xf32, #tpu.memory_space<hbm>>
      %dma_wait3A_47 = arith.constant 0 : i32
      %dma_wait3A_48 = tpu.memref_slice %arg4[%mul3A_40, %dma_wait3A_47] : memref<128x10000xf32, #tpu.memory_space<hbm>> -> memref<4x10000xf32, #tpu.memory_space<hbm>>
      tpu.wait_dma2 semaphore(%run_scoped3A : memref<!tpu.dma_semaphore, #tpu.memory_space<semaphore_mem>>) src(%arg6 : memref<4x10000xf32, #tpu.memory_space<vmem>>) dst(%dma_wait3A_48 : memref<4x10000xf32, #tpu.memory_space<hbm>>)
      tpu.yield
    }) : () -> ()
    return
  }
}

module attributes {stable_mosaic.version = 14 : i64} {
  func.func @_tc1_body(%arg0: memref<10000x128xf32, #tpu.memory_space<vmem>>, %arg1: memref<128x128xf32, #tpu.memory_space<vmem>>, %arg2: memref<32x10000xf32, #tpu.memory_space<vmem>>, %arg3: memref<625x512xi32, #tpu.memory_space<vmem>>, %arg4: memref<625x512xi32, #tpu.memory_space<vmem>>, %arg5: memref<64x10000xi32, #tpu.memory_space<vmem>>, %arg6: memref<1x10000xf32, #tpu.memory_space<vmem>>, %arg7: memref<625x512xi32, #tpu.memory_space<vmem>>) attributes {dimension_semantics = [], scalar_prefetch = 0 : i64, scratch_operands = 0 : i64, tpu.core_type = #tpu.core_type<tc>} {
    %get3A = arith.constant 0 : index
    %get3A_0 = arith.constant 0 : index
    %get3A_1 = vector.load %arg2[%get3A, %get3A_0] : memref<32x10000xf32, #tpu.memory_space<vmem>>, vector<32x10000xf32>
    %reduce_sum3A = arith.constant dense<0.000000e+00> : vector<10000xf32>
    %reduce_sum3A_2 = vector.multi_reduction <add>, %get3A_1, %reduce_sum3A [0] : vector<32x10000xf32> to vector<10000xf32>
    %broadcast_in_dim3A = vector.shape_cast %reduce_sum3A_2 : vector<10000xf32> to vector<1x10000xf32>
    %add3A = arith.constant 1.000000e+00 : f32
    %add3A_3 = vector.broadcast %add3A : f32 to vector<1x10000xf32>
    %add3A_4 = arith.addf %add3A_3, %broadcast_in_dim3A : vector<1x10000xf32>
    %rsqrt3A = math.rsqrt %add3A_4 : vector<1x10000xf32>
    %get3A_5 = arith.constant 0 : index
    %get3A_6 = arith.constant 0 : index
    %get3A_7 = vector.load %arg1[%get3A_5, %get3A_6] : memref<128x128xf32, #tpu.memory_space<vmem>>, vector<128x128xf32>
    %get3A_8 = arith.constant 0 : index
    %get3A_9 = arith.constant 0 : index
    %get3A_10 = vector.load %arg0[%get3A_8, %get3A_9] : memref<10000x128xf32, #tpu.memory_space<vmem>>, vector<10000x128xf32>
    %dot_general3A = arith.constant dense<0.000000e+00> : vector<128x10000xf32>
    %dot_general3A_11 = tpu.matmul %get3A_7, %get3A_10, %dot_general3A {dimension_numbers = #tpu.dot_dimension_numbers<[0], [1], [1], [0], [0, 1, 1, 0], [], []>, transpose_lhs_hint = false} : vector<128x128xf32>, vector<10000x128xf32>, vector<128x10000xf32> -> vector<128x10000xf32>
    %mul3A = vector.broadcast %rsqrt3A : vector<1x10000xf32> to vector<128x10000xf32>
    %mul3A_12 = arith.mulf %dot_general3A_11, %mul3A : vector<128x10000xf32>
    %slice3A = vector.extract_strided_slice %mul3A_12 {offsets = [0, 0], sizes = [64, 10000], strides = [1, 1]} : vector<128x10000xf32> to vector<64x10000xf32>
    %convert_element_type3A = arith.truncf %slice3A : vector<64x10000xf32> to vector<64x10000xbf16>
    %slice3A_13 = vector.extract_strided_slice %mul3A_12 {offsets = [64, 0], sizes = [64, 10000], strides = [1, 1]} : vector<128x10000xf32> to vector<64x10000xf32>
    %convert_element_type3A_14 = arith.truncf %slice3A_13 : vector<64x10000xf32> to vector<64x10000xbf16>
    %bitcast_convert_type3A = tpu.bitcast %convert_element_type3A : vector<64x10000xbf16> -> vector<64x10000xi16>
    %convert_element_type3A_15 = arith.extui %bitcast_convert_type3A : vector<64x10000xi16> to vector<64x10000xi32>
    %bitcast_convert_type3A_16 = tpu.bitcast %convert_element_type3A_14 : vector<64x10000xbf16> -> vector<64x10000xi16>
    %convert_element_type3A_17 = arith.extui %bitcast_convert_type3A_16 : vector<64x10000xi16> to vector<64x10000xi32>
    %shift_left3A = arith.constant 16 : i32
    %shift_left3A_18 = vector.broadcast %shift_left3A : i32 to vector<64x10000xi32>
    %shift_left3A_19 = arith.shli %convert_element_type3A_17, %shift_left3A_18 : vector<64x10000xi32>
    %or3A = arith.ori %convert_element_type3A_15, %shift_left3A_19 : vector<64x10000xi32>
    %swap3A = arith.constant 0 : index
    %swap3A_20 = arith.constant 0 : index
    %swap3A_21 = vector.load %arg5[%swap3A, %swap3A_20] : memref<64x10000xi32, #tpu.memory_space<vmem>>, vector<64x10000xi32>
    tpu.vector_store %arg5[%swap3A, %swap3A_20], %or3A {strides = array<i32>} : memref<64x10000xi32, #tpu.memory_space<vmem>>, vector<64x10000xi32>,
    %swap3A_22 = arith.constant 0 : index
    %swap3A_23 = arith.constant 0 : index
    %swap3A_24 = vector.load %arg6[%swap3A_22, %swap3A_23] : memref<1x10000xf32, #tpu.memory_space<vmem>>, vector<1x10000xf32>
    tpu.vector_store %arg6[%swap3A_22, %swap3A_23], %rsqrt3A {strides = array<i32>} : memref<1x10000xf32, #tpu.memory_space<vmem>>, vector<1x10000xf32>,
    %get3A_25 = arith.constant 0 : index
    %get3A_26 = arith.constant 0 : index
    %get3A_27 = vector.load %arg3[%get3A_25, %get3A_26] : memref<625x512xi32, #tpu.memory_space<vmem>>, vector<625x512xi32>
    %get3A_28 = arith.constant 0 : index
    %get3A_29 = arith.constant 0 : index
    %get3A_30 = vector.load %arg4[%get3A_28, %get3A_29] : memref<625x512xi32, #tpu.memory_space<vmem>>, vector<625x512xi32>
    %shift_left3A_31 = arith.constant 16 : i32
    %shift_left3A_32 = vector.broadcast %shift_left3A_31 : i32 to vector<625x512xi32>
    %shift_left3A_33 = arith.shli %get3A_30, %shift_left3A_32 : vector<625x512xi32>
    %or3A_34 = arith.ori %get3A_27, %shift_left3A_33 : vector<625x512xi32>
    %swap3A_35 = arith.constant 0 : index
    %swap3A_36 = arith.constant 0 : index
    %swap3A_37 = vector.load %arg7[%swap3A_35, %swap3A_36] : memref<625x512xi32, #tpu.memory_space<vmem>>, vector<625x512xi32>
    tpu.vector_store %arg7[%swap3A_35, %swap3A_36], %or3A_34 {strides = array<i32>} : memref<625x512xi32, #tpu.memory_space<vmem>>, vector<625x512xi32>,
    return
  }
}

module attributes {stable_mosaic.version = 14 : i64} {
  func.func @_tc2_body(%arg0: memref<128x10000xf32, #tpu.memory_space<vmem>>, %arg1: memref<1x10000xf32, #tpu.memory_space<vmem>>, %arg2: memref<128x1xf32, #tpu.memory_space<vmem>>, %arg3: memref<128x1xf32, #tpu.memory_space<vmem>>, %arg4: memref<128x1xf32, #tpu.memory_space<vmem>>, %arg5: memref<128x128xf32, #tpu.memory_space<vmem>>, %arg6: memref<64x10000xi32, #tpu.memory_space<vmem>>) attributes {dimension_semantics = [], scalar_prefetch = 0 : i64, scratch_operands = 0 : i64, tpu.core_type = #tpu.core_type<tc>} {
    %get3A = arith.constant 0 : index
    %get3A_0 = arith.constant 0 : index
    %get3A_1 = vector.load %arg1[%get3A, %get3A_0] : memref<1x10000xf32, #tpu.memory_space<vmem>>, vector<1x10000xf32>
    %get3A_2 = arith.constant 0 : index
    %get3A_3 = arith.constant 0 : index
    %get3A_4 = vector.load %arg0[%get3A_2, %get3A_3] : memref<128x10000xf32, #tpu.memory_space<vmem>>, vector<128x10000xf32>
    %mul3A = vector.broadcast %get3A_1 : vector<1x10000xf32> to vector<128x10000xf32>
    %mul3A_5 = arith.mulf %get3A_4, %mul3A : vector<128x10000xf32>
    %get3A_6 = arith.constant 0 : index
    %get3A_7 = arith.constant 0 : index
    %get3A_8 = vector.load %arg2[%get3A_6, %get3A_7] : memref<128x1xf32, #tpu.memory_space<vmem>>, vector<128x1xf32>
    %add3A = vector.broadcast %get3A_8 : vector<128x1xf32> to vector<128x10000xf32>
    %add3A_9 = arith.addf %mul3A_5, %add3A : vector<128x10000xf32>
    %get3A_10 = arith.constant 0 : index
    %get3A_11 = arith.constant 0 : index
    %get3A_12 = vector.load %arg3[%get3A_10, %get3A_11] : memref<128x1xf32, #tpu.memory_space<vmem>>, vector<128x1xf32>
    %get3A_13 = arith.constant 0 : index
    %get3A_14 = arith.constant 0 : index
    %get3A_15 = vector.load %arg4[%get3A_13, %get3A_14] : memref<128x1xf32, #tpu.memory_space<vmem>>, vector<128x1xf32>
    %reduce_sum3A = arith.constant dense<0.000000e+00> : vector<128xf32>
    %reduce_sum3A_16 = vector.multi_reduction <add>, %add3A_9, %reduce_sum3A [1] : vector<128x10000xf32> to vector<128xf32>
    %broadcast_in_dim3A = vector.shape_cast %reduce_sum3A_16 : vector<128xf32> to vector<128x1xf32>
    %div3A = arith.constant 1.000000e+04 : f32
    %div3A_17 = vector.broadcast %div3A : f32 to vector<128x1xf32>
    %div3A_18 = arith.divf %broadcast_in_dim3A, %div3A_17 : vector<128x1xf32>
    %sub3A = vector.broadcast %div3A_18 : vector<128x1xf32> to vector<128x10000xf32>
    %sub3A_19 = arith.subf %add3A_9, %sub3A : vector<128x10000xf32>
    %integer_pow3A = arith.mulf %sub3A_19, %sub3A_19 : vector<128x10000xf32>
    %reduce_sum3A_20 = arith.constant dense<0.000000e+00> : vector<128xf32>
    %reduce_sum3A_21 = vector.multi_reduction <add>, %integer_pow3A, %reduce_sum3A_20 [1] : vector<128x10000xf32> to vector<128xf32>
    %broadcast_in_dim3A_22 = vector.shape_cast %reduce_sum3A_21 : vector<128xf32> to vector<128x1xf32>
    %div3A_23 = arith.constant 1.000000e+04 : f32
    %div3A_24 = vector.broadcast %div3A_23 : f32 to vector<128x1xf32>
    %div3A_25 = arith.divf %broadcast_in_dim3A_22, %div3A_24 : vector<128x1xf32>
    %sub3A_26 = vector.broadcast %div3A_18 : vector<128x1xf32> to vector<128x10000xf32>
    %sub3A_27 = arith.subf %add3A_9, %sub3A_26 : vector<128x10000xf32>
    %add3A_28 = arith.constant 9.99999974E-6 : f32
    %add3A_29 = vector.broadcast %add3A_28 : f32 to vector<128x1xf32>
    %add3A_30 = arith.addf %div3A_25, %add3A_29 : vector<128x1xf32>
    %rsqrt3A = math.rsqrt %add3A_30 : vector<128x1xf32>
    %mul3A_31 = vector.broadcast %rsqrt3A : vector<128x1xf32> to vector<128x10000xf32>
    %mul3A_32 = arith.mulf %sub3A_27, %mul3A_31 : vector<128x10000xf32>
    %mul3A_33 = vector.broadcast %get3A_12 : vector<128x1xf32> to vector<128x10000xf32>
    %mul3A_34 = arith.mulf %mul3A_32, %mul3A_33 : vector<128x10000xf32>
    %add3A_35 = vector.broadcast %get3A_15 : vector<128x1xf32> to vector<128x10000xf32>
    %add3A_36 = arith.addf %mul3A_34, %add3A_35 : vector<128x10000xf32>
    %max3A = arith.constant 0.000000e+00 : f32
    %max3A_37 = vector.broadcast %max3A : f32 to vector<128x10000xf32>
    %max3A_38 = arith.maximumf %add3A_36, %max3A_37 : vector<128x10000xf32>
    %get3A_39 = arith.constant 0 : index
    %get3A_40 = arith.constant 0 : index
    %get3A_41 = vector.load %arg5[%get3A_39, %get3A_40] : memref<128x128xf32, #tpu.memory_space<vmem>>, vector<128x128xf32>
    %dot_general3A = arith.constant dense<0.000000e+00> : vector<128x10000xf32>
    %dot_general3A_42 = tpu.matmul %get3A_41, %max3A_38, %dot_general3A {dimension_numbers = #tpu.dot_dimension_numbers<[0], [0], [1], [1], [0, 1, 1, 1], [], []>, transpose_lhs_hint = false} : vector<128x128xf32>, vector<128x10000xf32>, vector<128x10000xf32> -> vector<128x10000xf32>
    %mul3A_43 = vector.broadcast %get3A_1 : vector<1x10000xf32> to vector<128x10000xf32>
    %mul3A_44 = arith.mulf %dot_general3A_42, %mul3A_43 : vector<128x10000xf32>
    %slice3A = vector.extract_strided_slice %mul3A_44 {offsets = [0, 0], sizes = [64, 10000], strides = [1, 1]} : vector<128x10000xf32> to vector<64x10000xf32>
    %convert_element_type3A = arith.truncf %slice3A : vector<64x10000xf32> to vector<64x10000xbf16>
    %slice3A_45 = vector.extract_strided_slice %mul3A_44 {offsets = [64, 0], sizes = [64, 10000], strides = [1, 1]} : vector<128x10000xf32> to vector<64x10000xf32>
    %convert_element_type3A_46 = arith.truncf %slice3A_45 : vector<64x10000xf32> to vector<64x10000xbf16>
    %bitcast_convert_type3A = tpu.bitcast %convert_element_type3A : vector<64x10000xbf16> -> vector<64x10000xi16>
    %convert_element_type3A_47 = arith.extui %bitcast_convert_type3A : vector<64x10000xi16> to vector<64x10000xi32>
    %bitcast_convert_type3A_48 = tpu.bitcast %convert_element_type3A_46 : vector<64x10000xbf16> -> vector<64x10000xi16>
    %convert_element_type3A_49 = arith.extui %bitcast_convert_type3A_48 : vector<64x10000xi16> to vector<64x10000xi32>
    %shift_left3A = arith.constant 16 : i32
    %shift_left3A_50 = vector.broadcast %shift_left3A : i32 to vector<64x10000xi32>
    %shift_left3A_51 = arith.shli %convert_element_type3A_49, %shift_left3A_50 : vector<64x10000xi32>
    %or3A = arith.ori %convert_element_type3A_47, %shift_left3A_51 : vector<64x10000xi32>
    %swap3A = arith.constant 0 : index
    %swap3A_52 = arith.constant 0 : index
    %swap3A_53 = vector.load %arg6[%swap3A, %swap3A_52] : memref<64x10000xi32, #tpu.memory_space<vmem>>, vector<64x10000xi32>
    tpu.vector_store %arg6[%swap3A, %swap3A_52], %or3A {strides = array<i32>} : memref<64x10000xi32, #tpu.memory_space<vmem>>, vector<64x10000xi32>,
    return
  }
}

module attributes {stable_mosaic.version = 14 : i64} {
  func.func @_tc3_body(%arg0: memref<128x10000xf32, #tpu.memory_space<vmem>>, %arg1: memref<1x10000xf32, #tpu.memory_space<vmem>>, %arg2: memref<128x1xf32, #tpu.memory_space<vmem>>, %arg3: memref<128x1xf32, #tpu.memory_space<vmem>>, %arg4: memref<128x1xf32, #tpu.memory_space<vmem>>, %arg5: memref<1x10000xi32, #tpu.memory_space<vmem>>, %arg6: memref<128x10xf32, #tpu.memory_space<vmem>>, %arg7: memref<1x10xf32, #tpu.memory_space<vmem>>, %arg8: memref<64x10xf32, #tpu.memory_space<vmem>>) attributes {dimension_semantics = [], scalar_prefetch = 0 : i64, scratch_operands = 0 : i64, tpu.core_type = #tpu.core_type<tc>} {
    %get3A = arith.constant 0 : index
    %get3A_0 = arith.constant 0 : index
    %get3A_1 = vector.load %arg0[%get3A, %get3A_0] : memref<128x10000xf32, #tpu.memory_space<vmem>>, vector<128x10000xf32>
    %get3A_2 = arith.constant 0 : index
    %get3A_3 = arith.constant 0 : index
    %get3A_4 = vector.load %arg1[%get3A_2, %get3A_3] : memref<1x10000xf32, #tpu.memory_space<vmem>>, vector<1x10000xf32>
    %mul3A = vector.broadcast %get3A_4 : vector<1x10000xf32> to vector<128x10000xf32>
    %mul3A_5 = arith.mulf %get3A_1, %mul3A : vector<128x10000xf32>
    %get3A_6 = arith.constant 0 : index
    %get3A_7 = arith.constant 0 : index
    %get3A_8 = vector.load %arg2[%get3A_6, %get3A_7] : memref<128x1xf32, #tpu.memory_space<vmem>>, vector<128x1xf32>
    %add3A = vector.broadcast %get3A_8 : vector<128x1xf32> to vector<128x10000xf32>
    %add3A_9 = arith.addf %mul3A_5, %add3A : vector<128x10000xf32>
    %get3A_10 = arith.constant 0 : index
    %get3A_11 = arith.constant 0 : index
    %get3A_12 = vector.load %arg3[%get3A_10, %get3A_11] : memref<128x1xf32, #tpu.memory_space<vmem>>, vector<128x1xf32>
    %get3A_13 = arith.constant 0 : index
    %get3A_14 = arith.constant 0 : index
    %get3A_15 = vector.load %arg4[%get3A_13, %get3A_14] : memref<128x1xf32, #tpu.memory_space<vmem>>, vector<128x1xf32>
    %reduce_sum3A = arith.constant dense<0.000000e+00> : vector<128xf32>
    %reduce_sum3A_16 = vector.multi_reduction <add>, %add3A_9, %reduce_sum3A [1] : vector<128x10000xf32> to vector<128xf32>
    %broadcast_in_dim3A = vector.shape_cast %reduce_sum3A_16 : vector<128xf32> to vector<128x1xf32>
    %div3A = arith.constant 1.000000e+04 : f32
    %div3A_17 = vector.broadcast %div3A : f32 to vector<128x1xf32>
    %div3A_18 = arith.divf %broadcast_in_dim3A, %div3A_17 : vector<128x1xf32>
    %sub3A = vector.broadcast %div3A_18 : vector<128x1xf32> to vector<128x10000xf32>
    %sub3A_19 = arith.subf %add3A_9, %sub3A : vector<128x10000xf32>
    %integer_pow3A = arith.mulf %sub3A_19, %sub3A_19 : vector<128x10000xf32>
    %reduce_sum3A_20 = arith.constant dense<0.000000e+00> : vector<128xf32>
    %reduce_sum3A_21 = vector.multi_reduction <add>, %integer_pow3A, %reduce_sum3A_20 [1] : vector<128x10000xf32> to vector<128xf32>
    %broadcast_in_dim3A_22 = vector.shape_cast %reduce_sum3A_21 : vector<128xf32> to vector<128x1xf32>
    %div3A_23 = arith.constant 1.000000e+04 : f32
    %div3A_24 = vector.broadcast %div3A_23 : f32 to vector<128x1xf32>
    %div3A_25 = arith.divf %broadcast_in_dim3A_22, %div3A_24 : vector<128x1xf32>
    %sub3A_26 = vector.broadcast %div3A_18 : vector<128x1xf32> to vector<128x10000xf32>
    %sub3A_27 = arith.subf %add3A_9, %sub3A_26 : vector<128x10000xf32>
    %add3A_28 = arith.constant 9.99999974E-6 : f32
    %add3A_29 = vector.broadcast %add3A_28 : f32 to vector<128x1xf32>
    %add3A_30 = arith.addf %div3A_25, %add3A_29 : vector<128x1xf32>
    %rsqrt3A = math.rsqrt %add3A_30 : vector<128x1xf32>
    %mul3A_31 = vector.broadcast %rsqrt3A : vector<128x1xf32> to vector<128x10000xf32>
    %mul3A_32 = arith.mulf %sub3A_27, %mul3A_31 : vector<128x10000xf32>
    %mul3A_33 = vector.broadcast %get3A_12 : vector<128x1xf32> to vector<128x10000xf32>
    %mul3A_34 = arith.mulf %mul3A_32, %mul3A_33 : vector<128x10000xf32>
    %add3A_35 = vector.broadcast %get3A_15 : vector<128x1xf32> to vector<128x10000xf32>
    %add3A_36 = arith.addf %mul3A_34, %add3A_35 : vector<128x10000xf32>
    %max3A = arith.constant 0.000000e+00 : f32
    %max3A_37 = vector.broadcast %max3A : f32 to vector<128x10000xf32>
    %max3A_38 = arith.maximumf %add3A_36, %max3A_37 : vector<128x10000xf32>
    %iota3A = tpu.iota {dimensions = array<i32: 0>} : vector<64x10000xi32>
    %get3A_39 = arith.constant 0 : index
    %get3A_40 = arith.constant 0 : index
    %get3A_41 = vector.load %arg5[%get3A_39, %get3A_40] : memref<1x10000xi32, #tpu.memory_space<vmem>>, vector<1x10000xi32>
    %eq3A = vector.broadcast %get3A_41 : vector<1x10000xi32> to vector<64x10000xi32>
    %eq3A_42 = arith.cmpi eq, %eq3A, %iota3A : vector<64x10000xi32>
    %convert_element_type3A = arith.extui %eq3A_42 : vector<64x10000xi1> to vector<64x10000xi32>
    %convert_element_type3A_43 = arith.sitofp %convert_element_type3A : vector<64x10000xi32> to vector<64x10000xf32>
    %dot_general3A = arith.constant dense<0.000000e+00> : vector<64x128xf32>
    %dot_general3A_44 = tpu.matmul %convert_element_type3A_43, %max3A_38, %dot_general3A {dimension_numbers = #tpu.dot_dimension_numbers<[1], [1], [0], [0], [0, 0, 1, 0], [], []>, transpose_lhs_hint = false} : vector<64x10000xf32>, vector<128x10000xf32>, vector<64x128xf32> -> vector<64x128xf32>
    %reduce_sum3A_45 = arith.constant dense<0.000000e+00> : vector<64xf32>
    %reduce_sum3A_46 = vector.multi_reduction <add>, %convert_element_type3A_43, %reduce_sum3A_45 [1] : vector<64x10000xf32> to vector<64xf32>
    %broadcast_in_dim3A_47 = vector.shape_cast %reduce_sum3A_46 : vector<64xf32> to vector<64x1xf32>
    %max3A_48 = arith.constant 1.000000e+00 : f32
    %max3A_49 = vector.broadcast %max3A_48 : f32 to vector<64x1xf32>
    %max3A_50 = arith.maximumf %broadcast_in_dim3A_47, %max3A_49 : vector<64x1xf32>
    %div3A_51 = vector.broadcast %max3A_50 : vector<64x1xf32> to vector<64x128xf32>
    %div3A_52 = arith.divf %dot_general3A_44, %div3A_51 : vector<64x128xf32>
    %get3A_53 = arith.constant 0 : index
    %get3A_54 = arith.constant 0 : index
    %get3A_55 = vector.load %arg6[%get3A_53, %get3A_54] : memref<128x10xf32, #tpu.memory_space<vmem>>, vector<128x10xf32>
    %dot_general3A_56 = arith.constant dense<0.000000e+00> : vector<64x10xf32>
    %dot_general3A_57 = tpu.matmul %div3A_52, %get3A_55, %dot_general3A_56 {dimension_numbers = #tpu.dot_dimension_numbers<[1], [0], [0], [1], [0, 0, 1, 1], [], []>, transpose_lhs_hint = false} : vector<64x128xf32>, vector<128x10xf32>, vector<64x10xf32> -> vector<64x10xf32>
    %get3A_58 = arith.constant 0 : index
    %get3A_59 = arith.constant 0 : index
    %get3A_60 = vector.load %arg7[%get3A_58, %get3A_59] : memref<1x10xf32, #tpu.memory_space<vmem>>, vector<1x10xf32>
    %add3A_61 = vector.broadcast %get3A_60 : vector<1x10xf32> to vector<64x10xf32>
    %add3A_62 = arith.addf %dot_general3A_57, %add3A_61 : vector<64x10xf32>
    %swap3A = arith.constant 0 : index
    %swap3A_63 = arith.constant 0 : index
    %swap3A_64 = vector.load %arg8[%swap3A, %swap3A_63] : memref<64x10xf32, #tpu.memory_space<vmem>>, vector<64x10xf32>
    tpu.vector_store %arg8[%swap3A, %swap3A_63], %add3A_62 {strides = array<i32>} : memref<64x10xf32, #tpu.memory_space<vmem>>, vector<64x10xf32>,
    return
  }
}

</mosaic_0001>

<sc_bundles>
// kernel: kernel.11.cloned.1.call-start
scs
__scs_entry_jumppad:
0x0: {  	(pc) =	sbr.rel $0x88, $3  }
0x1: {  	(tag) =	ssettag $0x0;
	lr =	simm.s32 $0x1  }
0x2: {  	[smem:$0x3F94] =	sst lr;
	_ =	strace $0xD0000000  }
0x3: {  	_ = 	snop  }
0x4: {  	_ = 	snop  }
0x5: {  	_ = 	snop  }
0x6: {  	_ = 	snop  }
0x7: {  	_ = 	snop  }
__scs_overlays_trampoline_lowered:
0x8: {  	[smem:$0x3FA3] =	sst s0  }
0x9: {  	[smem:$0x3FA4] =	sst s1  }
0xa: {  	[smem:$0x3FA5] =	sst s2  }
0xb: {  	[smem:$0x3FA6] =	sst s3  }
0xc: {  	[smem:$0x3FA7] =	sst s4  }
0xd: {  	[smem:$0x3FA8] =	sst s5  }
0xe: {  	[smem:$0x3FA9] =	sst s6  }
0xf: {  	[smem:$0x3FAA] =	sst s7  }
0x10: {  	[smem:$0x3FAB] =	sst s8  }
0x11: {  	[smem:$0x3FAC] =	sst s9;
	s0 =	simm.s32 @!p0 $0x0  }
0x12: {  	s1 =	sld [smem:$0x3F92];
	s0 =	simm.s32 @p0 $0x1  }
0x13: {  	[smem:$0x3FAD] =	sst s0;
	s0 =	simm.s32 @!p1 $0x0  }
0x14: {  	s2 =	sld [smem:$0x3F91];
	s0 =	simm.s32 @p1 $0x1  }
0x15: {  	[smem:$0x3FAE] =	sst s0;
	s0 =	simm.s32 @!p2 $0x0  }
0x16: {  	s3 =	sld [smem:$0x3FDB];
	s0 =	simm.s32 @p2 $0x1  }
0x17: {  	s4 =	simm.s32 $0x1BF5;
	[smem:$0x3FB0] =	sst s0  }
0x18: {  	s0 =	sld [smem:$0x3F93];
	_ =	swait.ge [sflag:s4], $0x0  }
0x19: {  	s7 =	sld [smem:$0x3F94]  }
0x1a: {  	s8 =	sadd.s32 $0xFFFFE003, lr  }
0x1b: {  	s9 =	sadd.s32 $0xFFFFFEF7, lr;
	s5 =	simm.s32 $0xFFFFFFFF;
	p2 =	slt.u32 s8, $0xFFFFF086  }
0x1c: {  	p1 =	slt.u32 s9, $0xF7A;
	s5 =	simm.s32 @!p2 $0x0  }
0x1d: {  	s5 =	simm.s32 @p1 $0x1;
	p0 =	seq.s32 s7, s2  }
0x1e: {  	s7 =	smul.u32 @!p0 $0xF7A, s2;
	p2 =	seq.s32 @!p0 s5, $0x0  }
0x1f: {  	s9 =	smul.u32 $0xF7A, s1;
	s8 =	simm.s32 @!p0 $0x1BF5;
	p2 =	por !p2, p0  }
0x20: {  	[sflag:s8] =	ssyncset.s32 @!p0 $0xFFFFF086;
	s6 =	sadd.s32 @!p0 s3, s7;
	s7 =	simm.s32 @!p0 $0x108  }
0x21: {  	s3 =	sadd.s32 s3, s9;
	s6 =	sadd.s32 @!p0 $0x88, s6;
	s7 =	simm.s32 @p2 $0x1082  }
0x22: {  	[simem:s7], [sflag:s8] =	dma.local @!p0 [hbm:s6], $0xF7A  }
0x23: {  	s9 =	sor.u32 $0xD0000000, s2;
	s6 =	simm.s32 $0x108;
	_ =	swait.ge @!p0 [sflag:s8], $0x0  }
0x24: {  	s3 =	sadd.s32 $0x88, s3;
	s6 =	simm.s32 @!p1 $0x1082;
	[sflag:s4] =	ssyncset.s32 $0xFFFFF086  }
0x25: {  	[simem:s6], [sflag:s4] =	dma.local [hbm:s3], $0xF7A  }
0x26: {  	[smem:$0x3F94] =	sst s1;
	(tag) =	ssettag s2;
	_ =	strace s9  }
0x27: {  	s1 =	sld [smem:$0x3FA4]  }
0x28: {  	s2 =	sld [smem:$0x3FA5]  }
0x29: {  	s4 =	sld [smem:$0x3FA7]  }
0x2a: {  	p0 =	seq.s32 s5, $0x0;
	s5 =	sld [smem:$0x3FA8]  }
0x2b: {  	s6 =	sld [smem:$0x3FA9]  }
0x2c: {  	s7 =	sld [smem:$0x3FAA]  }
0x2d: {  	s3 =	simm.s32 $0x108;
	s8 =	sld [smem:$0x3FAB]  }
0x2e: {  	s3 =	simm.s32 @!p0 $0x1082;
	s9 =	sld [smem:$0x3FAC]  }
0x2f: {  	lr =	sadd.s32 s0, s3;
	s0 =	sld [smem:$0x3FA3]  }
0x30: {  	s3 =	sld [smem:$0x3FA6]  }
0x31: {  	[smem:$0x3FAF] =	sst s10  }
0x32: {  	s10 =	sld [smem:$0x3FAD];
	_ =	sdelay $0x3  }
0x33: {  	p0 =	seq.s32 s10, $0x1;
	s10 =	sld [smem:$0x3FAF];
	_ =	sdelay $0x3  }
0x34: {  	[smem:$0x3FAF] =	sst s10  }
0x35: {  	s10 =	sld [smem:$0x3FAE];
	_ =	sdelay $0x3  }
0x36: {  	p1 =	seq.s32 s10, $0x1;
	s10 =	sld [smem:$0x3FAF];
	_ =	sdelay $0x3  }
0x37: {  	[smem:$0x3FAF] =	sst s10  }
0x38: {  	s10 =	sld [smem:$0x3FB0]  }
0x39: {  	_ = 	snop;
	(pc) =	sbr.ind lr, $3  }
0x3a: {  	_ = 	snop  }
0x3b: {  	_ = 	snop  }
0x3c: {  	p2 =	seq.s32 s10, $0x1;
	s10 =	sld [smem:$0x3FAF]  }
0x3d: {  	_ =	shalt  }
0x3e: {  	_ =	shalt  }
0x3f: {  	_ =	shalt  }
0x40: {  	_ =	shalt  }
0x41: {  	_ =	shalt  }
0x42: {  	_ =	shalt  }
0x43: {  	_ =	shalt  }
0x44: {  	_ =	shalt  }
0x45: {  	_ =	shalt  }
0x46: {  	_ =	shalt  }
0x47: {  	_ =	shalt  }
0x48: {  	_ =	shalt  }
0x49: {  	_ =	shalt  }
0x4a: {  	_ =	shalt  }
0x4b: {  	_ =	shalt  }
0x4c: {  	_ =	shalt  }
0x4d: {  	_ =	shalt  }
0x4e: {  	_ =	shalt  }
0x4f: {  	_ =	shalt  }
0x50: {  	_ =	shalt  }
0x51: {  	_ =	shalt  }
0x52: {  	_ =	shalt  }
0x53: {  	_ =	shalt  }
0x54: {  	_ =	shalt  }
0x55: {  	_ =	shalt  }
0x56: {  	_ =	shalt  }
0x57: {  	_ =	shalt  }
0x58: {  	_ =	shalt  }
0x59: {  	_ =	shalt  }
0x5a: {  	_ =	shalt  }
0x5b: {  	_ =	shalt  }
0x5c: {  	_ =	shalt  }
0x5d: {  	_ =	shalt  }
0x5e: {  	_ =	shalt  }
0x5f: {  	_ =	shalt  }
0x60: {  	_ =	shalt  }
0x61: {  	_ =	shalt  }
0x62: {  	_ =	shalt  }
0x63: {  	_ =	shalt  }
0x64: {  	_ =	shalt  }
0x65: {  	_ =	shalt  }
0x66: {  	_ =	shalt  }
0x67: {  	_ =	shalt  }
0x68: {  	_ =	shalt  }
0x69: {  	_ =	shalt  }
0x6a: {  	_ =	shalt  }
0x6b: {  	_ =	shalt  }
0x6c: {  	_ =	shalt  }
0x6d: {  	_ =	shalt  }
0x6e: {  	_ =	shalt  }
0x6f: {  	_ =	shalt  }
0x70: {  	_ =	shalt  }
0x71: {  	_ =	shalt  }
0x72: {  	_ =	shalt  }
0x73: {  	_ =	shalt  }
0x74: {  	_ =	shalt  }
0x75: {  	_ =	shalt  }
0x76: {  	_ =	shalt  }
0x77: {  	_ =	shalt  }
0x78: {  	_ =	shalt  }
0x79: {  	_ =	shalt  }
0x7a: {  	_ =	shalt  }
0x7b: {  	_ =	shalt  }
0x7c: {  	_ =	shalt  }
0x7d: {  	_ =	shalt  }
0x7e: {  	_ =	shalt  }
0x7f: {  	_ =	shalt  }
0x80: {  	_ =	shalt  }
0x81: {  	_ =	shalt  }
0x82: {  	_ =	shalt  }
0x83: {  	_ =	shalt  }
0x84: {  	_ =	shalt  }
0x85: {  	_ =	shalt  }
0x86: {  	_ =	shalt  }
0x87: {  	_ =	shalt  }
.Lfunc_end0:
.L_simem_size_0:
called_computation.1_lowered:
.L_overlay_start_0:
0x88: {  	s2 =	sld [smem:$0x3FD9]  }
0x89: {  	s3 =	sld [smem:$0x3FFE];
	_ =	sdelay $0x1  }
0x8a: {  	s1 =	srdreg.scid  }
0x8b: {  	s0 =	sand.u32 $0x1, s1  }
0x8c: {  	s16 =	sshll.u32 s0, $0xA;
	s2 =	sadd.s32 s3, s2  }
0x8d: {  	s2 =	sadd.s32 s2, s16  }
0x8e: {  	[smem:$0x3FBB] =	sst s2  }
0x8f: {  	_ = 	snop  }
0x90: {  	(tm) =	ssettm $0x1  }
0x91: {  	s17 =	sld [smem:$0x3FFB];
	_ =	sdelay $0x3  }
0x92: {  	_ =	strace s17  }
0x93: {  	s2 =	sld [smem:$0x3FFC];
	_ =	sdelay $0x3  }
0x94: {  	_ =	strace s2  }
0x95: {  	s2 =	sld [smem:$0x3FFD];
	_ =	sdelay $0x3  }
0x96: {  	_ =	strace s2  }
0x97: {  	_ =	strace $0x8FFFFFFF  }
0x98: {  	s18 =	sld [smem:$0x3FDB];
	_ =	sdelay $0x1  }
0x99: {  	s19 =	simm.s32 $_scs_section_size  }
0x9a: {  	s4 =	simm.s32 $_size__tile_overlayer_lowered;
	s5 =	simm.s32 $_tile_overlayer_lowered  }
0x9b: {  	s22 =	simm.s32 $0x1BFF;
	s21 =	sshll.u32 s5, $0x1;
	s2 =	sadd.s32 s19, s18  }
0x9c: {  	s6 =	simm.s32 $0x0;
	s20 =	sshll.u32 s4, $0x1;
	s4 =	sadd.s32 s21, s2  }
0x9d: {  	[timem:s6], [sflag:s22] =	dma.local [hbm:s4], s20  }
0x9e: {  	_ =	swait.ge [sflag:s22], s20  }
0x9f: {  	s3 =	ssub.s32 $0x0, s20;
	[sflag:s22] =	ssyncset.done $0x0  }
0xa0: {  	[sflag:s22] =	ssyncadd.s32 s3;
	_ =	sdelay $0x1  }
0xa1: {  	s23 =	simm.s32 $0x1B8B  }
0xa2: {  	_ =	swait.ge [sflag:s23], $0x1  }
0xa3: {  	[sflag:s23] =	ssyncset.done $0x0  }
0xa4: {  	s25 =	simm.s32 $0x1B8E;
	s24 =	sld [smem:$0x3FFE];
	[sflag:s23] =	ssyncadd.s32 $0xFFFFFFFF  }
0xa5: {  	s26 =	simm.s32 $execute0_lowered;
	[smem:$0x3FD2] =	sst s25  }
0xa6: {  	s4 =	sshll.u32 s26, $0x1;
	_ =	strace $0x80000049;
	[dreg:$0x1] =	wrdreg $0xFFFFFFFF  }
0xa7: {  	s28 =	simm.s32 $_size_execute0_lowered;
	s2 =	sadd.s32 s2, s4;
	[dreg:$0x0] =	wrdreg $0x0  }
0xa8: {  	s4 =	sshll.u32 s28, $0x1;
	[dreg:$0x2] =	wrdreg s2  }
0xa9: {  	[dreg:$0x3] =	wrdreg s4  }
0xaa: {  	[dreg:$0x4] =	wrdreg $0xC0  }
0xab: {  	_ =	task [dreg:s6], $0x5FFFF  }
0xac: {  	[dreg:$0x1] =	wrdreg $0xFFFFFFFF  }
0xad: {  	[dreg:$0x0] =	wrdreg $0x60  }
0xae: {  	[dreg:$0x2] =	wrdreg s24  }
0xaf: {  	[dreg:$0x3] =	wrdreg $0x9  }
0xb0: {  	_ =	task.clear_ibuf [dreg:s6], $0x4FFFF;
	_ =	strace $0x90000049  }
0xb1: {  	s29 =	simm.s32 $0x9;
	_ =	strace $0x8000004B  }
0xb2: {  	_ =	swait.ge [sflag:s29], $0x1  }
0xb3: {  	[sflag:s29] =	ssyncadd.s32 $0xFFFFFFFF  }
0xb4: {  	_ =	strace $0x9000004B  }
0xb5: {  	_ =	sfence  }
0xb6: {  	s30 =	sld [smem:$0x0];
	_ =	sdelay $0x2  }
0xb7: {  	s31 =	sshll.u32 s1, $0xD;
	s1 =	sshrl.u32 s1, $0x2  }
0xb8: {  	s3 =	sand.u32 $0x4000, s31;
	s1 =	sadd.s32 s1, s30  }
0xb9: {  	s0 =	sor.u32 s3, s0;
	s1 =	sshll.u32 s1, $0x11  }
0xba: {  	s0 =	sor.u32 s1, s0  }
0xbb: {  	s0 =	sadd.s32 $0x8F2B, s0  }
0xbc: {  	[sflag:s0] =	ssyncadd.remote.s32 $0x1  }
0xbd: {  	_ =	sfence.sel $0xFFFF  }
0xbe: {  	[dreg:$0x0] =	wrdreg $0xFFFFFFFF;
	(pc) =	sbr.abs _section_cstart, $3  }
0xbf: {  	[dreg:$0x1] =	wrdreg $0xFFFFFFFF  }
0xc0: {  	_ =	task.clear_ibuf [dreg:s6], $0x2FFFF;
	_ =	strace $0x9FFFFFFF  }
0xc1: {  	(tm) =	ssettm $0x7FFFFFFF  }
tec
execute0_lowered:
.L_overlay_start_1:
0x0: {  	(tag) =	ssettag $0x1  }
0x1: {  	s4 =	rddreg [dreg:$0x0]  }
0x2: {  	s1 =	srdreg.scid;
	s0 =	stileid.u32;
	s9 =	simm.s32 $0x1  }
0x3: {  	s10 =	simm.s32 $0x200;
	s11 =	simm.s32 $0x4F00;
	s12 =	simm.s32 $0x2  }
0x4: {  	s13 =	simm.s32 $0x0;
	s3 =	sand.u32 $0x1, s1;
	s28 =	sshrl.u32 s0, $0x1  }
0x5: {  	s2 =	sshll.u32 s0, $0x9;
	s1 =	rddreg [dreg:$0x1];
	s29 =	smul.u32 $0x13C00, s0  }
0x6: {  	s5 =	smul.u32 $0x13C00, s28;
	s6 =	sshll.u32 s3, $0x8;
	s7 =	sand.u32 $0x200, s2  }
0x7: {  	s2 =	simm.s32 $0x0;
	s30 =	sshll.u32 s3, $0x9;
	s31 =	ssub.s32 $0x2, s3  }
0x8: {  	s3 =	sadd.s32 $0x16C00, s4;
	s6 =	sor.u32 s6, s7;
	[smem:$0x7FF] =	sst s2  }
.Ltmp0:
0x9: {  	s8 =	sshrl.u32 s31, $0x1;
	s5 =	sor.u32 s5, s6;
	(pc) =	sbr.rel .LBB2_1-.Ltmp0, $4  }
0xa: {  	_ =	strace $0x8000004A;
	s6 =	sor.u32 s30, s29;
	s5 =	sshrl.u32 s5, $0x3  }
0xb: {  	s7 =	ssub.s32 s31, s8;
	s6 =	sshrl.u32 s6, $0x3;
	s5 =	sadd.s32 s5, s4  }
0xc: {  	s8 =	simm.s32 $0x400;
	s6 =	sadd.s32 s6, s4;
	s4 =	sadd.s32 $0x3000, s5  }
0xd: {  	s5 =	sadd.s32 $0x20C00, s6;
	s6 =	smax.u32 s7, $0x1;
	s7 =	simm.s32 $0x100  }
.LBB2_8:
0xe: {  	s13 =	sadd.s32 $0x1, s13  }
0xf: {  	p0 =	sne.s32 s13, s6  }
.Ltmp1:
0x10: {  	_ = 	snop;
	(pc) =	sbr.rel @!p0 .LBB2_9-.Ltmp1, $4  }
0x11: {  	[hbm4b:s5+s10] =	stream.strided.scatter [tilespmem:s11], [sflag:$0x2], $0x9E00, s8, s10, $0x38;
	[tilespmem:$0x10D00] =	vst v63  }
0x12: {  	_ =	swait.ge [sflag:s12], $0x9E00  }
0x13: {  	[sflag:s12] =	ssyncset.done $0x0  }
0x14: {  	[sflag:s12] =	ssyncadd.s32 $0xFFFF6200  }
.LBB2_1:
0x15: {  	[tilespmem:s2], [sflag:$0x1] =	stream.strided.gather [hbm4b:s4+s7], $0x4F00, s8, s7, $0x38;
	[tilespmem:$0x10D00] =	vst v63  }
0x16: {  	s14 =	simm.s32 $0xED00  }
0x17: {  	s15 =	simm.s32 $0x80;
	s17 =	sadd.s32 $0x0, s3;
	s16 =	simm.s32 $0xEE00  }
.LBB2_2:
0x18: {  	[tilespmem:s14], [sflag:$0x1] =	stream.linear.gather [hbm4b:s17+s2], $0x80, $0x38;
	[tilespmem:$0x10D00] =	vst v63  }
0x19: {  	s17 =	smov.u32 s15;
	s14 =	smov.u32 s16;
	p0 =	sne.s32 s15, $0xF80  }
.Ltmp2:
0x1a: {  	s15 =	sadd.s32 $0x80, s15;
	(pc) =	sbr.rel @p0 .LBB2_2-.Ltmp2, $2  }
0x1b: {  	_ =	sdelay $0x2  }
0x1c: {  	s16 =	sadd.s32 $0x100, s16;
	s17 =	sadd.s32 s17, s3  }
0x1d: {  	[tilespmem:s14], [sflag:$0x1] =	stream.linear.gather [hbm4b:s17+s2], $0x80, $0x38;
	[tilespmem:$0x10D00] =	vst v63  }
0x1e: {  	_ =	swait.ge [sflag:s9], $0x4F00  }
0x1f: {  	[sflag:s9] =	ssyncset.done $0x0  }
0x20: {  	s15 =	simm.s32 $0x0;
	[sflag:s9] =	ssyncadd.s32 $0xFFFFB100  }
.LBB2_4:
0x21: {  	p0 =	seq.s32 s15, $0x4F  }
.Ltmp3:
0x22: {  	_ = 	snop;
	(pc) =	sbr.rel @p0 .LBB2_8-.Ltmp3, $4  }
0x23: {  	_ = 	snop  }
0x24: {  	_ =	swait.ge [sflag:s9], $0x1000  }
0x25: {  	[sflag:s9] =	ssyncset.done $0x0  }
0x26: {  	[sflag:s9] =	ssyncadd.s32 $0xFFFFF000  }
0x27: {  	s14 =	sadd.s32 $0x1, s15  }
0x28: {  	s31 =	sxor.u32 $0xFFFFFFFF, s15;
	s16 =	sshll.u32 s14, $0x4  }
0x29: {  	s15 =	sshll.u32 s31, $0x7;
	s17 =	sshll.u32 s14, $0x9;
	s16 =	sand.u32 $0x70, s16  }
0x2a: {  	s15 =	sand.u32 $0x80, s15;
	s17 =	sand.u32 $0x1F000, s17;
	s16 =	sadd.s32 s3, s16  }
0x2b: {  	s15 =	sor.u32 $0xED00, s15;
	s16 =	sadd.s32 s17, s16  }
0x2c: {  	s17 =	simm.s32 $0x80;
	s18 =	sadd.s32 $0x100, s15;
	s19 =	sadd.s32 $0x0, s16  }
.LBB2_6:
0x2d: {  	[tilespmem:s15], [sflag:$0x1] =	stream.linear.gather [hbm4b:s19+s2], $0x80, $0x38;
	[tilespmem:$0x10D00] =	vst v63  }
0x2e: {  	s19 =	smov.u32 s17;
	s15 =	smov.u32 s18;
	p0 =	sne.s32 s17, $0xF80  }
.Ltmp4:
0x2f: {  	s17 =	sadd.s32 $0x80, s17;
	(pc) =	sbr.rel @p0 .LBB2_6-.Ltmp4, $2  }
0x30: {  	_ =	sdelay $0x2  }
0x31: {  	s18 =	sadd.s32 $0x100, s18;
	s19 =	sadd.s32 s19, s16  }
0x32: {  	p0 =	sne.s32 s14, $0x50  }
.Ltmp5:
0x33: {  	_ = 	snop;
	(pc) =	sbr.rel @p0 .LBB2_4-.Ltmp5, $4  }
.Ltmp6:
0x34: {  	_ = 	snop;
	(pc) =	sbr.rel @!p0 .LBB2_8-.Ltmp6, $4  }
0x35: {  	_ = 	snop  }
0x36: {  	[tilespmem:s15], [sflag:$0x1] =	stream.linear.gather [hbm4b:s19+s2], $0x80, $0x38;
	[tilespmem:$0x10D00] =	vst v63  }
0x37: {  	s15 =	smov.u32 s14  }
0x38: {  	_ = 	snop  }
.LBB2_9:
0x39: {  	_ =	sfence.sel $0x180000  }
0x3a: {  	[bflag:$0x0] =	sbarrier.arrive $0xFFFF  }
0x3b: {  	p0 =	sne.s32 s0, $0x0;
	_ =	strace $0x9000004A  }
0x3c: {  	s0 =	sadd.s32 @!p0 $0x100000, s1;
	[bflag:$0x2] =	sbarrier.arrive $0xFFFF  }
0x3d: {  	[sflag:s0] =	ssyncadd.tile.s32 @!p0 $0x1;
	_ =	shalt  }
.Lfunc_end2:
_tile_overlayer_lowered:
.L_overlay_start_2:
0x3e: {  	(tag) =	ssettag $0x2  }
0x3f: {  	s0 =	rddreg [dreg:$0x0];
	s2 =	stileid.u32  }
0x40: {  	s1 =	rddreg [dreg:$0x1];
	p0 =	sne.s32 s2, $0x0  }
0x41: {  	s3 =	rddreg [dreg:$0x2];
	[bflag:$0x3] =	sbarrier.arrive $0xFFFF;
	s2 =	simm.s32 @!p0 $0x1C02  }
0x42: {  	[timem:s3], [sflag:s2] =	dma.local @!p0 [hbm:s0], s1  }
0x43: {  	s0 =	simm.s32 @!p0 $0x2  }
0x44: {  	_ =	swait.ge @!p0 [sflag:s0], s1  }
0x45: {  	s1 =	ssub.s32 @!p0 $0x0, s1;
	[sflag:s0] =	ssyncset.done @!p0 $0x0  }
0x46: {  	[sflag:s0] =	ssyncadd.s32 @!p0 s1  }
0x47: {  	[bflag:$0x3] =	sbarrier.arrive $0xFFFF  }
0x48: {  	_ =	shalt  }

// kernel: kernel.14.cloned.1.call-start
scs
__scs_entry_jumppad:
0x0: {  	(pc) =	sbr.rel $0x88, $3  }
0x1: {  	(tag) =	ssettag $0x0;
	lr =	simm.s32 $0x1  }
0x2: {  	[smem:$0x3F94] =	sst lr;
	_ =	strace $0xD0000000  }
0x3: {  	_ = 	snop  }
0x4: {  	_ = 	snop  }
0x5: {  	_ = 	snop  }
0x6: {  	_ = 	snop  }
0x7: {  	_ = 	snop  }
__scs_overlays_trampoline_lowered:
0x8: {  	[smem:$0x3FA3] =	sst s0  }
0x9: {  	[smem:$0x3FA4] =	sst s1  }
0xa: {  	[smem:$0x3FA5] =	sst s2  }
0xb: {  	[smem:$0x3FA6] =	sst s3  }
0xc: {  	[smem:$0x3FA7] =	sst s4  }
0xd: {  	[smem:$0x3FA8] =	sst s5  }
0xe: {  	[smem:$0x3FA9] =	sst s6  }
0xf: {  	[smem:$0x3FAA] =	sst s7  }
0x10: {  	[smem:$0x3FAB] =	sst s8  }
0x11: {  	[smem:$0x3FAC] =	sst s9;
	s0 =	simm.s32 @!p0 $0x0  }
0x12: {  	s1 =	sld [smem:$0x3F92];
	s0 =	simm.s32 @p0 $0x1  }
0x13: {  	[smem:$0x3FAD] =	sst s0;
	s0 =	simm.s32 @!p1 $0x0  }
0x14: {  	s2 =	sld [smem:$0x3F91];
	s0 =	simm.s32 @p1 $0x1  }
0x15: {  	[smem:$0x3FAE] =	sst s0;
	s0 =	simm.s32 @!p2 $0x0  }
0x16: {  	s3 =	sld [smem:$0x3FDB];
	s0 =	simm.s32 @p2 $0x1  }
0x17: {  	s4 =	simm.s32 $0x1BF5;
	[smem:$0x3FB0] =	sst s0  }
0x18: {  	s0 =	sld [smem:$0x3F93];
	_ =	swait.ge [sflag:s4], $0x0  }
0x19: {  	s7 =	sld [smem:$0x3F94]  }
0x1a: {  	s8 =	sadd.s32 $0xFFFFE003, lr  }
0x1b: {  	s9 =	sadd.s32 $0xFFFFFEF7, lr;
	s5 =	simm.s32 $0xFFFFFFFF;
	p2 =	slt.u32 s8, $0xFFFFF086  }
0x1c: {  	p1 =	slt.u32 s9, $0xF7A;
	s5 =	simm.s32 @!p2 $0x0  }
0x1d: {  	s5 =	simm.s32 @p1 $0x1;
	p0 =	seq.s32 s7, s2  }
0x1e: {  	s7 =	smul.u32 @!p0 $0xF7A, s2;
	p2 =	seq.s32 @!p0 s5, $0x0  }
0x1f: {  	s9 =	smul.u32 $0xF7A, s1;
	s8 =	simm.s32 @!p0 $0x1BF5;
	p2 =	por !p2, p0  }
0x20: {  	[sflag:s8] =	ssyncset.s32 @!p0 $0xFFFFF086;
	s6 =	sadd.s32 @!p0 s3, s7;
	s7 =	simm.s32 @!p0 $0x108  }
0x21: {  	s3 =	sadd.s32 s3, s9;
	s6 =	sadd.s32 @!p0 $0x88, s6;
	s7 =	simm.s32 @p2 $0x1082  }
0x22: {  	[simem:s7], [sflag:s8] =	dma.local @!p0 [hbm:s6], $0xF7A  }
0x23: {  	s9 =	sor.u32 $0xD0000000, s2;
	s6 =	simm.s32 $0x108;
	_ =	swait.ge @!p0 [sflag:s8], $0x0  }
0x24: {  	s3 =	sadd.s32 $0x88, s3;
	s6 =	simm.s32 @!p1 $0x1082;
	[sflag:s4] =	ssyncset.s32 $0xFFFFF086  }
0x25: {  	[simem:s6], [sflag:s4] =	dma.local [hbm:s3], $0xF7A  }
0x26: {  	[smem:$0x3F94] =	sst s1;
	(tag) =	ssettag s2;
	_ =	strace s9  }
0x27: {  	s1 =	sld [smem:$0x3FA4]  }
0x28: {  	s2 =	sld [smem:$0x3FA5]  }
0x29: {  	s4 =	sld [smem:$0x3FA7]  }
0x2a: {  	p0 =	seq.s32 s5, $0x0;
	s5 =	sld [smem:$0x3FA8]  }
0x2b: {  	s6 =	sld [smem:$0x3FA9]  }
0x2c: {  	s7 =	sld [smem:$0x3FAA]  }
0x2d: {  	s3 =	simm.s32 $0x108;
	s8 =	sld [smem:$0x3FAB]  }
0x2e: {  	s3 =	simm.s32 @!p0 $0x1082;
	s9 =	sld [smem:$0x3FAC]  }
0x2f: {  	lr =	sadd.s32 s0, s3;
	s0 =	sld [smem:$0x3FA3]  }
0x30: {  	s3 =	sld [smem:$0x3FA6]  }
0x31: {  	[smem:$0x3FAF] =	sst s10  }
0x32: {  	s10 =	sld [smem:$0x3FAD];
	_ =	sdelay $0x3  }
0x33: {  	p0 =	seq.s32 s10, $0x1;
	s10 =	sld [smem:$0x3FAF];
	_ =	sdelay $0x3  }
0x34: {  	[smem:$0x3FAF] =	sst s10  }
0x35: {  	s10 =	sld [smem:$0x3FAE];
	_ =	sdelay $0x3  }
0x36: {  	p1 =	seq.s32 s10, $0x1;
	s10 =	sld [smem:$0x3FAF];
	_ =	sdelay $0x3  }
0x37: {  	[smem:$0x3FAF] =	sst s10  }
0x38: {  	s10 =	sld [smem:$0x3FB0]  }
0x39: {  	_ = 	snop;
	(pc) =	sbr.ind lr, $3  }
0x3a: {  	_ = 	snop  }
0x3b: {  	_ = 	snop  }
0x3c: {  	p2 =	seq.s32 s10, $0x1;
	s10 =	sld [smem:$0x3FAF]  }
0x3d: {  	_ =	shalt  }
0x3e: {  	_ =	shalt  }
0x3f: {  	_ =	shalt  }
0x40: {  	_ =	shalt  }
0x41: {  	_ =	shalt  }
0x42: {  	_ =	shalt  }
0x43: {  	_ =	shalt  }
0x44: {  	_ =	shalt  }
0x45: {  	_ =	shalt  }
0x46: {  	_ =	shalt  }
0x47: {  	_ =	shalt  }
0x48: {  	_ =	shalt  }
0x49: {  	_ =	shalt  }
0x4a: {  	_ =	shalt  }
0x4b: {  	_ =	shalt  }
0x4c: {  	_ =	shalt  }
0x4d: {  	_ =	shalt  }
0x4e: {  	_ =	shalt  }
0x4f: {  	_ =	shalt  }
0x50: {  	_ =	shalt  }
0x51: {  	_ =	shalt  }
0x52: {  	_ =	shalt  }
0x53: {  	_ =	shalt  }
0x54: {  	_ =	shalt  }
0x55: {  	_ =	shalt  }
0x56: {  	_ =	shalt  }
0x57: {  	_ =	shalt  }
0x58: {  	_ =	shalt  }
0x59: {  	_ =	shalt  }
0x5a: {  	_ =	shalt  }
0x5b: {  	_ =	shalt  }
0x5c: {  	_ =	shalt  }
0x5d: {  	_ =	shalt  }
0x5e: {  	_ =	shalt  }
0x5f: {  	_ =	shalt  }
0x60: {  	_ =	shalt  }
0x61: {  	_ =	shalt  }
0x62: {  	_ =	shalt  }
0x63: {  	_ =	shalt  }
0x64: {  	_ =	shalt  }
0x65: {  	_ =	shalt  }
0x66: {  	_ =	shalt  }
0x67: {  	_ =	shalt  }
0x68: {  	_ =	shalt  }
0x69: {  	_ =	shalt  }
0x6a: {  	_ =	shalt  }
0x6b: {  	_ =	shalt  }
0x6c: {  	_ =	shalt  }
0x6d: {  	_ =	shalt  }
0x6e: {  	_ =	shalt  }
0x6f: {  	_ =	shalt  }
0x70: {  	_ =	shalt  }
0x71: {  	_ =	shalt  }
0x72: {  	_ =	shalt  }
0x73: {  	_ =	shalt  }
0x74: {  	_ =	shalt  }
0x75: {  	_ =	shalt  }
0x76: {  	_ =	shalt  }
0x77: {  	_ =	shalt  }
0x78: {  	_ =	shalt  }
0x79: {  	_ =	shalt  }
0x7a: {  	_ =	shalt  }
0x7b: {  	_ =	shalt  }
0x7c: {  	_ =	shalt  }
0x7d: {  	_ =	shalt  }
0x7e: {  	_ =	shalt  }
0x7f: {  	_ =	shalt  }
0x80: {  	_ =	shalt  }
0x81: {  	_ =	shalt  }
0x82: {  	_ =	shalt  }
0x83: {  	_ =	shalt  }
0x84: {  	_ =	shalt  }
0x85: {  	_ =	shalt  }
0x86: {  	_ =	shalt  }
0x87: {  	_ =	shalt  }
.Lfunc_end0:
.L_simem_size_0:
called_computation.2_lowered:
.L_overlay_start_0:
0x88: {  	s2 =	sld [smem:$0x3FD9]  }
0x89: {  	s3 =	sld [smem:$0x3FFE];
	_ =	sdelay $0x1  }
0x8a: {  	s1 =	srdreg.scid  }
0x8b: {  	s0 =	sand.u32 $0x1, s1  }
0x8c: {  	s16 =	sshll.u32 s0, $0xA;
	s2 =	sadd.s32 s3, s2  }
0x8d: {  	s2 =	sadd.s32 s2, s16  }
0x8e: {  	[smem:$0x3FBB] =	sst s2  }
0x8f: {  	_ = 	snop  }
0x90: {  	(tm) =	ssettm $0x1  }
0x91: {  	s17 =	sld [smem:$0x3FFB];
	_ =	sdelay $0x3  }
0x92: {  	_ =	strace s17  }
0x93: {  	s2 =	sld [smem:$0x3FFC];
	_ =	sdelay $0x3  }
0x94: {  	_ =	strace s2  }
0x95: {  	s2 =	sld [smem:$0x3FFD];
	_ =	sdelay $0x3  }
0x96: {  	_ =	strace s2  }
0x97: {  	_ =	strace $0x8FFFFFFF  }
0x98: {  	s18 =	sld [smem:$0x3FDB];
	_ =	sdelay $0x1  }
0x99: {  	s19 =	simm.s32 $_scs_section_size  }
0x9a: {  	s4 =	simm.s32 $_size__tile_overlayer_lowered;
	s5 =	simm.s32 $_tile_overlayer_lowered  }
0x9b: {  	s22 =	simm.s32 $0x1BFF;
	s21 =	sshll.u32 s5, $0x1;
	s2 =	sadd.s32 s19, s18  }
0x9c: {  	s6 =	simm.s32 $0x0;
	s20 =	sshll.u32 s4, $0x1;
	s4 =	sadd.s32 s21, s2  }
0x9d: {  	[timem:s6], [sflag:s22] =	dma.local [hbm:s4], s20  }
0x9e: {  	_ =	swait.ge [sflag:s22], s20  }
0x9f: {  	s3 =	ssub.s32 $0x0, s20;
	[sflag:s22] =	ssyncset.done $0x0  }
0xa0: {  	[sflag:s22] =	ssyncadd.s32 s3;
	_ =	sdelay $0x1  }
0xa1: {  	s23 =	simm.s32 $0x1B8B  }
0xa2: {  	_ =	swait.ge [sflag:s23], $0x1  }
0xa3: {  	[sflag:s23] =	ssyncset.done $0x0  }
0xa4: {  	s25 =	simm.s32 $0x1B8E;
	s24 =	sld [smem:$0x3FFE];
	[sflag:s23] =	ssyncadd.s32 $0xFFFFFFFF  }
0xa5: {  	s26 =	simm.s32 $execute0_lowered;
	[smem:$0x3FD2] =	sst s25  }
0xa6: {  	s4 =	sshll.u32 s26, $0x1;
	_ =	strace $0x8000004C;
	[dreg:$0x1] =	wrdreg $0xFFFFFFFF  }
0xa7: {  	s28 =	simm.s32 $_size_execute0_lowered;
	s2 =	sadd.s32 s2, s4;
	[dreg:$0x0] =	wrdreg $0x0  }
0xa8: {  	s4 =	sshll.u32 s28, $0x1;
	[dreg:$0x2] =	wrdreg s2  }
0xa9: {  	[dreg:$0x3] =	wrdreg s4  }
0xaa: {  	[dreg:$0x4] =	wrdreg $0xC0  }
0xab: {  	_ =	task [dreg:s6], $0x5FFFF  }
0xac: {  	[dreg:$0x1] =	wrdreg $0xFFFFFFFF  }
0xad: {  	[dreg:$0x0] =	wrdreg $0x60  }
0xae: {  	[dreg:$0x2] =	wrdreg s24  }
0xaf: {  	[dreg:$0x3] =	wrdreg $0x9  }
0xb0: {  	_ =	task.clear_ibuf [dreg:s6], $0x4FFFF;
	_ =	strace $0x9000004C  }
0xb1: {  	s29 =	simm.s32 $0x9;
	_ =	strace $0x8000004E  }
0xb2: {  	_ =	swait.ge [sflag:s29], $0x1  }
0xb3: {  	[sflag:s29] =	ssyncadd.s32 $0xFFFFFFFF  }
0xb4: {  	_ =	strace $0x9000004E  }
0xb5: {  	_ =	sfence  }
0xb6: {  	s30 =	sld [smem:$0x0];
	_ =	sdelay $0x2  }
0xb7: {  	s31 =	sshll.u32 s1, $0xD;
	s1 =	sshrl.u32 s1, $0x2  }
0xb8: {  	s3 =	sand.u32 $0x4000, s31;
	s1 =	sadd.s32 s1, s30  }
0xb9: {  	s0 =	sor.u32 s3, s0;
	s1 =	sshll.u32 s1, $0x11  }
0xba: {  	s0 =	sor.u32 s1, s0  }
0xbb: {  	s0 =	sadd.s32 $0x8F2B, s0  }
0xbc: {  	[sflag:s0] =	ssyncadd.remote.s32 $0x1  }
0xbd: {  	_ =	sfence.sel $0xFFFF  }
0xbe: {  	[dreg:$0x0] =	wrdreg $0xFFFFFFFF;
	(pc) =	sbr.abs _section_cstart, $3  }
0xbf: {  	[dreg:$0x1] =	wrdreg $0xFFFFFFFF  }
0xc0: {  	_ =	task.clear_ibuf [dreg:s6], $0x2FFFF;
	_ =	strace $0x9FFFFFFF  }
0xc1: {  	(tm) =	ssettm $0x7FFFFFFF  }
tec
execute0_lowered:
.L_overlay_start_1:
0x0: {  	(tag) =	ssettag $0x1  }
0x1: {  	s4 =	rddreg [dreg:$0x0]  }
0x2: {  	s1 =	srdreg.scid;
	s0 =	stileid.u32;
	s9 =	simm.s32 $0x1  }
0x3: {  	s10 =	simm.s32 $0x200;
	s11 =	simm.s32 $0x4F00;
	s12 =	simm.s32 $0x2  }
0x4: {  	s13 =	simm.s32 $0x0;
	s3 =	sand.u32 $0x1, s1;
	s28 =	sshrl.u32 s0, $0x1  }
0x5: {  	s2 =	sshll.u32 s0, $0x9;
	s1 =	rddreg [dreg:$0x1];
	s29 =	smul.u32 $0x13C00, s0  }
0x6: {  	s5 =	smul.u32 $0x13C00, s28;
	s6 =	sshll.u32 s3, $0x8;
	s7 =	sand.u32 $0x200, s2  }
0x7: {  	s2 =	simm.s32 $0x0;
	s30 =	sshll.u32 s3, $0x9;
	s31 =	ssub.s32 $0x2, s3  }
0x8: {  	s3 =	sadd.s32 $0x16C00, s4;
	s6 =	sor.u32 s6, s7;
	[smem:$0x7FF] =	sst s2  }
.Ltmp0:
0x9: {  	s8 =	sshrl.u32 s31, $0x1;
	s5 =	sor.u32 s5, s6;
	(pc) =	sbr.rel .LBB2_1-.Ltmp0, $4  }
0xa: {  	_ =	strace $0x8000004D;
	s6 =	sor.u32 s30, s29;
	s5 =	sshrl.u32 s5, $0x3  }
0xb: {  	s7 =	ssub.s32 s31, s8;
	s6 =	sshrl.u32 s6, $0x3;
	s5 =	sadd.s32 s5, s4  }
0xc: {  	s8 =	simm.s32 $0x400;
	s6 =	sadd.s32 s6, s4;
	s4 =	sadd.s32 $0x3000, s5  }
0xd: {  	s5 =	sadd.s32 $0x20C00, s6;
	s6 =	smax.u32 s7, $0x1;
	s7 =	simm.s32 $0x100  }
.LBB2_8:
0xe: {  	s13 =	sadd.s32 $0x1, s13  }
0xf: {  	p0 =	sne.s32 s13, s6  }
.Ltmp1:
0x10: {  	_ = 	snop;
	(pc) =	sbr.rel @!p0 .LBB2_9-.Ltmp1, $4  }
0x11: {  	[hbm4b:s5+s10] =	stream.strided.scatter [tilespmem:s11], [sflag:$0x2], $0x9E00, s8, s10, $0x38;
	[tilespmem:$0x10D00] =	vst v63  }
0x12: {  	_ =	swait.ge [sflag:s12], $0x9E00  }
0x13: {  	[sflag:s12] =	ssyncset.done $0x0  }
0x14: {  	[sflag:s12] =	ssyncadd.s32 $0xFFFF6200  }
.LBB2_1:
0x15: {  	[tilespmem:s2], [sflag:$0x1] =	stream.strided.gather [hbm4b:s4+s7], $0x4F00, s8, s7, $0x38;
	[tilespmem:$0x10D00] =	vst v63  }
0x16: {  	s14 =	simm.s32 $0xED00  }
0x17: {  	s15 =	simm.s32 $0x80;
	s17 =	sadd.s32 $0x0, s3;
	s16 =	simm.s32 $0xEE00  }
.LBB2_2:
0x18: {  	[tilespmem:s14], [sflag:$0x1] =	stream.linear.gather [hbm4b:s17+s2], $0x80, $0x38;
	[tilespmem:$0x10D00] =	vst v63  }
0x19: {  	s17 =	smov.u32 s15;
	s14 =	smov.u32 s16;
	p0 =	sne.s32 s15, $0xF80  }
.Ltmp2:
0x1a: {  	s15 =	sadd.s32 $0x80, s15;
	(pc) =	sbr.rel @p0 .LBB2_2-.Ltmp2, $2  }
0x1b: {  	_ =	sdelay $0x2  }
0x1c: {  	s16 =	sadd.s32 $0x100, s16;
	s17 =	sadd.s32 s17, s3  }
0x1d: {  	[tilespmem:s14], [sflag:$0x1] =	stream.linear.gather [hbm4b:s17+s2], $0x80, $0x38;
	[tilespmem:$0x10D00] =	vst v63  }
0x1e: {  	_ =	swait.ge [sflag:s9], $0x4F00  }
0x1f: {  	[sflag:s9] =	ssyncset.done $0x0  }
0x20: {  	s15 =	simm.s32 $0x0;
	[sflag:s9] =	ssyncadd.s32 $0xFFFFB100  }
.LBB2_4:
0x21: {  	p0 =	seq.s32 s15, $0x4F  }
.Ltmp3:
0x22: {  	_ = 	snop;
	(pc) =	sbr.rel @p0 .LBB2_8-.Ltmp3, $4  }
0x23: {  	_ = 	snop  }
0x24: {  	_ =	swait.ge [sflag:s9], $0x1000  }
0x25: {  	[sflag:s9] =	ssyncset.done $0x0  }
0x26: {  	[sflag:s9] =	ssyncadd.s32 $0xFFFFF000  }
0x27: {  	s14 =	sadd.s32 $0x1, s15  }
0x28: {  	s31 =	sxor.u32 $0xFFFFFFFF, s15;
	s16 =	sshll.u32 s14, $0x4  }
0x29: {  	s15 =	sshll.u32 s31, $0x7;
	s17 =	sshll.u32 s14, $0x9;
	s16 =	sand.u32 $0x70, s16  }
0x2a: {  	s15 =	sand.u32 $0x80, s15;
	s17 =	sand.u32 $0x1F000, s17;
	s16 =	sadd.s32 s3, s16  }
0x2b: {  	s15 =	sor.u32 $0xED00, s15;
	s16 =	sadd.s32 s17, s16  }
0x2c: {  	s17 =	simm.s32 $0x80;
	s18 =	sadd.s32 $0x100, s15;
	s19 =	sadd.s32 $0x0, s16  }
.LBB2_6:
0x2d: {  	[tilespmem:s15], [sflag:$0x1] =	stream.linear.gather [hbm4b:s19+s2], $0x80, $0x38;
	[tilespmem:$0x10D00] =	vst v63  }
0x2e: {  	s19 =	smov.u32 s17;
	s15 =	smov.u32 s18;
	p0 =	sne.s32 s17, $0xF80  }
.Ltmp4:
0x2f: {  	s17 =	sadd.s32 $0x80, s17;
	(pc) =	sbr.rel @p0 .LBB2_6-.Ltmp4, $2  }
0x30: {  	_ =	sdelay $0x2  }
0x31: {  	s18 =	sadd.s32 $0x100, s18;
	s19 =	sadd.s32 s19, s16  }
0x32: {  	p0 =	sne.s32 s14, $0x50  }
.Ltmp5:
0x33: {  	_ = 	snop;
	(pc) =	sbr.rel @p0 .LBB2_4-.Ltmp5, $4  }
.Ltmp6:
0x34: {  	_ = 	snop;
	(pc) =	sbr.rel @!p0 .LBB2_8-.Ltmp6, $4  }
0x35: {  	_ = 	snop  }
0x36: {  	[tilespmem:s15], [sflag:$0x1] =	stream.linear.gather [hbm4b:s19+s2], $0x80, $0x38;
	[tilespmem:$0x10D00] =	vst v63  }
0x37: {  	s15 =	smov.u32 s14  }
0x38: {  	_ = 	snop  }
.LBB2_9:
0x39: {  	_ =	sfence.sel $0x180000  }
0x3a: {  	[bflag:$0x0] =	sbarrier.arrive $0xFFFF  }
0x3b: {  	p0 =	sne.s32 s0, $0x0;
	_ =	strace $0x9000004D  }
0x3c: {  	s0 =	sadd.s32 @!p0 $0x100000, s1;
	[bflag:$0x2] =	sbarrier.arrive $0xFFFF  }
0x3d: {  	[sflag:s0] =	ssyncadd.tile.s32 @!p0 $0x1;
	_ =	shalt  }
.Lfunc_end2:
_tile_overlayer_lowered:
.L_overlay_start_2:
0x3e: {  	(tag) =	ssettag $0x2  }
0x3f: {  	s0 =	rddreg [dreg:$0x0];
	s2 =	stileid.u32  }
0x40: {  	s1 =	rddreg [dreg:$0x1];
	p0 =	sne.s32 s2, $0x0  }
0x41: {  	s3 =	rddreg [dreg:$0x2];
	[bflag:$0x3] =	sbarrier.arrive $0xFFFF;
	s2 =	simm.s32 @!p0 $0x1C02  }
0x42: {  	[timem:s3], [sflag:s2] =	dma.local @!p0 [hbm:s0], s1  }
0x43: {  	s0 =	simm.s32 @!p0 $0x2  }
0x44: {  	_ =	swait.ge @!p0 [sflag:s0], s1  }
0x45: {  	s1 =	ssub.s32 @!p0 $0x0, s1;
	[sflag:s0] =	ssyncset.done @!p0 $0x0  }
0x46: {  	[sflag:s0] =	ssyncadd.s32 @!p0 s1  }
0x47: {  	[bflag:$0x3] =	sbarrier.arrive $0xFFFF  }
0x48: {  	_ =	shalt  }

// kernel: kernel.8.cloned.1.call-start
scs
__scs_entry_jumppad:
0x0: {  	(pc) =	sbr.rel $0x88, $3  }
0x1: {  	(tag) =	ssettag $0x0;
	lr =	simm.s32 $0x1  }
0x2: {  	[smem:$0x3F94] =	sst lr;
	_ =	strace $0xD0000000  }
0x3: {  	_ = 	snop  }
0x4: {  	_ = 	snop  }
0x5: {  	_ = 	snop  }
0x6: {  	_ = 	snop  }
0x7: {  	_ = 	snop  }
__scs_overlays_trampoline_lowered:
0x8: {  	[smem:$0x3FA3] =	sst s0  }
0x9: {  	[smem:$0x3FA4] =	sst s1  }
0xa: {  	[smem:$0x3FA5] =	sst s2  }
0xb: {  	[smem:$0x3FA6] =	sst s3  }
0xc: {  	[smem:$0x3FA7] =	sst s4  }
0xd: {  	[smem:$0x3FA8] =	sst s5  }
0xe: {  	[smem:$0x3FA9] =	sst s6  }
0xf: {  	[smem:$0x3FAA] =	sst s7  }
0x10: {  	[smem:$0x3FAB] =	sst s8  }
0x11: {  	[smem:$0x3FAC] =	sst s9;
	s0 =	simm.s32 @!p0 $0x0  }
0x12: {  	s1 =	sld [smem:$0x3F92];
	s0 =	simm.s32 @p0 $0x1  }
0x13: {  	[smem:$0x3FAD] =	sst s0;
	s0 =	simm.s32 @!p1 $0x0  }
0x14: {  	s2 =	sld [smem:$0x3F91];
	s0 =	simm.s32 @p1 $0x1  }
0x15: {  	[smem:$0x3FAE] =	sst s0;
	s0 =	simm.s32 @!p2 $0x0  }
0x16: {  	s3 =	sld [smem:$0x3FDB];
	s0 =	simm.s32 @p2 $0x1  }
0x17: {  	s4 =	simm.s32 $0x1BF5;
	[smem:$0x3FB0] =	sst s0  }
0x18: {  	s0 =	sld [smem:$0x3F93];
	_ =	swait.ge [sflag:s4], $0x0  }
0x19: {  	s7 =	sld [smem:$0x3F94]  }
0x1a: {  	s8 =	sadd.s32 $0xFFFFE003, lr  }
0x1b: {  	s9 =	sadd.s32 $0xFFFFFEF7, lr;
	s5 =	simm.s32 $0xFFFFFFFF;
	p2 =	slt.u32 s8, $0xFFFFF086  }
0x1c: {  	p1 =	slt.u32 s9, $0xF7A;
	s5 =	simm.s32 @!p2 $0x0  }
0x1d: {  	s5 =	simm.s32 @p1 $0x1;
	p0 =	seq.s32 s7, s2  }
0x1e: {  	s7 =	smul.u32 @!p0 $0xF7A, s2;
	p2 =	seq.s32 @!p0 s5, $0x0  }
0x1f: {  	s9 =	smul.u32 $0xF7A, s1;
	s8 =	simm.s32 @!p0 $0x1BF5;
	p2 =	por !p2, p0  }
0x20: {  	[sflag:s8] =	ssyncset.s32 @!p0 $0xFFFFF086;
	s6 =	sadd.s32 @!p0 s3, s7;
	s7 =	simm.s32 @!p0 $0x108  }
0x21: {  	s3 =	sadd.s32 s3, s9;
	s6 =	sadd.s32 @!p0 $0x88, s6;
	s7 =	simm.s32 @p2 $0x1082  }
0x22: {  	[simem:s7], [sflag:s8] =	dma.local @!p0 [hbm:s6], $0xF7A  }
0x23: {  	s9 =	sor.u32 $0xD0000000, s2;
	s6 =	simm.s32 $0x108;
	_ =	swait.ge @!p0 [sflag:s8], $0x0  }
0x24: {  	s3 =	sadd.s32 $0x88, s3;
	s6 =	simm.s32 @!p1 $0x1082;
	[sflag:s4] =	ssyncset.s32 $0xFFFFF086  }
0x25: {  	[simem:s6], [sflag:s4] =	dma.local [hbm:s3], $0xF7A  }
0x26: {  	[smem:$0x3F94] =	sst s1;
	(tag) =	ssettag s2;
	_ =	strace s9  }
0x27: {  	s1 =	sld [smem:$0x3FA4]  }
0x28: {  	s2 =	sld [smem:$0x3FA5]  }
0x29: {  	s4 =	sld [smem:$0x3FA7]  }
0x2a: {  	p0 =	seq.s32 s5, $0x0;
	s5 =	sld [smem:$0x3FA8]  }
0x2b: {  	s6 =	sld [smem:$0x3FA9]  }
0x2c: {  	s7 =	sld [smem:$0x3FAA]  }
0x2d: {  	s3 =	simm.s32 $0x108;
	s8 =	sld [smem:$0x3FAB]  }
0x2e: {  	s3 =	simm.s32 @!p0 $0x1082;
	s9 =	sld [smem:$0x3FAC]  }
0x2f: {  	lr =	sadd.s32 s0, s3;
	s0 =	sld [smem:$0x3FA3]  }
0x30: {  	s3 =	sld [smem:$0x3FA6]  }
0x31: {  	[smem:$0x3FAF] =	sst s10  }
0x32: {  	s10 =	sld [smem:$0x3FAD];
	_ =	sdelay $0x3  }
0x33: {  	p0 =	seq.s32 s10, $0x1;
	s10 =	sld [smem:$0x3FAF];
	_ =	sdelay $0x3  }
0x34: {  	[smem:$0x3FAF] =	sst s10  }
0x35: {  	s10 =	sld [smem:$0x3FAE];
	_ =	sdelay $0x3  }
0x36: {  	p1 =	seq.s32 s10, $0x1;
	s10 =	sld [smem:$0x3FAF];
	_ =	sdelay $0x3  }
0x37: {  	[smem:$0x3FAF] =	sst s10  }
0x38: {  	s10 =	sld [smem:$0x3FB0]  }
0x39: {  	_ = 	snop;
	(pc) =	sbr.ind lr, $3  }
0x3a: {  	_ = 	snop  }
0x3b: {  	_ = 	snop  }
0x3c: {  	p2 =	seq.s32 s10, $0x1;
	s10 =	sld [smem:$0x3FAF]  }
0x3d: {  	_ =	shalt  }
0x3e: {  	_ =	shalt  }
0x3f: {  	_ =	shalt  }
0x40: {  	_ =	shalt  }
0x41: {  	_ =	shalt  }
0x42: {  	_ =	shalt  }
0x43: {  	_ =	shalt  }
0x44: {  	_ =	shalt  }
0x45: {  	_ =	shalt  }
0x46: {  	_ =	shalt  }
0x47: {  	_ =	shalt  }
0x48: {  	_ =	shalt  }
0x49: {  	_ =	shalt  }
0x4a: {  	_ =	shalt  }
0x4b: {  	_ =	shalt  }
0x4c: {  	_ =	shalt  }
0x4d: {  	_ =	shalt  }
0x4e: {  	_ =	shalt  }
0x4f: {  	_ =	shalt  }
0x50: {  	_ =	shalt  }
0x51: {  	_ =	shalt  }
0x52: {  	_ =	shalt  }
0x53: {  	_ =	shalt  }
0x54: {  	_ =	shalt  }
0x55: {  	_ =	shalt  }
0x56: {  	_ =	shalt  }
0x57: {  	_ =	shalt  }
0x58: {  	_ =	shalt  }
0x59: {  	_ =	shalt  }
0x5a: {  	_ =	shalt  }
0x5b: {  	_ =	shalt  }
0x5c: {  	_ =	shalt  }
0x5d: {  	_ =	shalt  }
0x5e: {  	_ =	shalt  }
0x5f: {  	_ =	shalt  }
0x60: {  	_ =	shalt  }
0x61: {  	_ =	shalt  }
0x62: {  	_ =	shalt  }
0x63: {  	_ =	shalt  }
0x64: {  	_ =	shalt  }
0x65: {  	_ =	shalt  }
0x66: {  	_ =	shalt  }
0x67: {  	_ =	shalt  }
0x68: {  	_ =	shalt  }
0x69: {  	_ =	shalt  }
0x6a: {  	_ =	shalt  }
0x6b: {  	_ =	shalt  }
0x6c: {  	_ =	shalt  }
0x6d: {  	_ =	shalt  }
0x6e: {  	_ =	shalt  }
0x6f: {  	_ =	shalt  }
0x70: {  	_ =	shalt  }
0x71: {  	_ =	shalt  }
0x72: {  	_ =	shalt  }
0x73: {  	_ =	shalt  }
0x74: {  	_ =	shalt  }
0x75: {  	_ =	shalt  }
0x76: {  	_ =	shalt  }
0x77: {  	_ =	shalt  }
0x78: {  	_ =	shalt  }
0x79: {  	_ =	shalt  }
0x7a: {  	_ =	shalt  }
0x7b: {  	_ =	shalt  }
0x7c: {  	_ =	shalt  }
0x7d: {  	_ =	shalt  }
0x7e: {  	_ =	shalt  }
0x7f: {  	_ =	shalt  }
0x80: {  	_ =	shalt  }
0x81: {  	_ =	shalt  }
0x82: {  	_ =	shalt  }
0x83: {  	_ =	shalt  }
0x84: {  	_ =	shalt  }
0x85: {  	_ =	shalt  }
0x86: {  	_ =	shalt  }
0x87: {  	_ =	shalt  }
.Lfunc_end0:
.L_simem_size_0:
called_computation_lowered:
.L_overlay_start_0:
0x88: {  	s2 =	sld [smem:$0x3FD9]  }
0x89: {  	s3 =	sld [smem:$0x3FFE];
	_ =	sdelay $0x1  }
0x8a: {  	s1 =	srdreg.scid  }
0x8b: {  	s0 =	sand.u32 $0x1, s1  }
0x8c: {  	s16 =	sshll.u32 s0, $0xA;
	s2 =	sadd.s32 s3, s2  }
0x8d: {  	s2 =	sadd.s32 s2, s16  }
0x8e: {  	[smem:$0x3FBB] =	sst s2  }
0x8f: {  	_ = 	snop  }
0x90: {  	(tm) =	ssettm $0x1  }
0x91: {  	s17 =	sld [smem:$0x3FFB];
	_ =	sdelay $0x3  }
0x92: {  	_ =	strace s17  }
0x93: {  	s2 =	sld [smem:$0x3FFC];
	_ =	sdelay $0x3  }
0x94: {  	_ =	strace s2  }
0x95: {  	s2 =	sld [smem:$0x3FFD];
	_ =	sdelay $0x3  }
0x96: {  	_ =	strace s2  }
0x97: {  	_ =	strace $0x8FFFFFFF  }
0x98: {  	s18 =	sld [smem:$0x3FDB];
	_ =	sdelay $0x1  }
0x99: {  	s19 =	simm.s32 $_scs_section_size  }
0x9a: {  	s4 =	simm.s32 $_size__tile_overlayer_lowered;
	s5 =	simm.s32 $_tile_overlayer_lowered  }
0x9b: {  	s22 =	simm.s32 $0x1BFF;
	s21 =	sshll.u32 s5, $0x1;
	s2 =	sadd.s32 s19, s18  }
0x9c: {  	s6 =	simm.s32 $0x0;
	s20 =	sshll.u32 s4, $0x1;
	s4 =	sadd.s32 s21, s2  }
0x9d: {  	[timem:s6], [sflag:s22] =	dma.local [hbm:s4], s20  }
0x9e: {  	_ =	swait.ge [sflag:s22], s20  }
0x9f: {  	s3 =	ssub.s32 $0x0, s20;
	[sflag:s22] =	ssyncset.done $0x0  }
0xa0: {  	[sflag:s22] =	ssyncadd.s32 s3;
	_ =	sdelay $0x1  }
0xa1: {  	s23 =	simm.s32 $0x1B8B  }
0xa2: {  	_ =	swait.ge [sflag:s23], $0x1  }
0xa3: {  	[sflag:s23] =	ssyncset.done $0x0  }
0xa4: {  	s25 =	simm.s32 $0x1B8E;
	s24 =	sld [smem:$0x3FFE];
	[sflag:s23] =	ssyncadd.s32 $0xFFFFFFFF  }
0xa5: {  	s26 =	simm.s32 $execute0_lowered;
	[smem:$0x3FD2] =	sst s25  }
0xa6: {  	s4 =	sshll.u32 s26, $0x1;
	_ =	strace $0x80000046;
	[dreg:$0x1] =	wrdreg $0xFFFFFFFF  }
0xa7: {  	s28 =	simm.s32 $_size_execute0_lowered;
	s2 =	sadd.s32 s2, s4;
	[dreg:$0x0] =	wrdreg $0x0  }
0xa8: {  	s4 =	sshll.u32 s28, $0x1;
	[dreg:$0x2] =	wrdreg s2  }
0xa9: {  	[dreg:$0x3] =	wrdreg s4  }
0xaa: {  	[dreg:$0x4] =	wrdreg $0xC0  }
0xab: {  	_ =	task [dreg:s6], $0x5FFFF  }
0xac: {  	[dreg:$0x1] =	wrdreg $0xFFFFFFFF  }
0xad: {  	[dreg:$0x0] =	wrdreg $0x60  }
0xae: {  	[dreg:$0x2] =	wrdreg s24  }
0xaf: {  	[dreg:$0x3] =	wrdreg $0x9  }
0xb0: {  	_ =	task.clear_ibuf [dreg:s6], $0x4FFFF;
	_ =	strace $0x90000046  }
0xb1: {  	s29 =	simm.s32 $0x9;
	_ =	strace $0x80000048  }
0xb2: {  	_ =	swait.ge [sflag:s29], $0x1  }
0xb3: {  	[sflag:s29] =	ssyncadd.s32 $0xFFFFFFFF  }
0xb4: {  	_ =	strace $0x90000048  }
0xb5: {  	_ =	sfence  }
0xb6: {  	s30 =	sld [smem:$0x0];
	_ =	sdelay $0x2  }
0xb7: {  	s31 =	sshll.u32 s1, $0xD;
	s1 =	sshrl.u32 s1, $0x2  }
0xb8: {  	s3 =	sand.u32 $0x4000, s31;
	s1 =	sadd.s32 s1, s30  }
0xb9: {  	s0 =	sor.u32 s3, s0;
	s1 =	sshll.u32 s1, $0x11  }
0xba: {  	s0 =	sor.u32 s1, s0  }
0xbb: {  	s0 =	sadd.s32 $0x8F2B, s0  }
0xbc: {  	[sflag:s0] =	ssyncadd.remote.s32 $0x1  }
0xbd: {  	_ =	sfence.sel $0xFFFF  }
0xbe: {  	[dreg:$0x0] =	wrdreg $0xFFFFFFFF;
	(pc) =	sbr.abs _section_cstart, $3  }
0xbf: {  	[dreg:$0x1] =	wrdreg $0xFFFFFFFF  }
0xc0: {  	_ =	task.clear_ibuf [dreg:s6], $0x2FFFF;
	_ =	strace $0x9FFFFFFF  }
0xc1: {  	(tm) =	ssettm $0x7FFFFFFF  }
tec
execute0_lowered:
.L_overlay_start_1:
0x0: {  	(tag) =	ssettag $0x1  }
0x1: {  	s1 =	srdreg.scid  }
0x2: {  	s0 =	stileid.u32;
	s5 =	rddreg [dreg:$0x0]  }
0x3: {  	s3 =	sand.u32 $0x1, s1;
	s28 =	sshll.u32 s0, $0x1;
	s29 =	sshrl.u32 s0, $0x2  }
0x4: {  	s2 =	simm.s32 $0x0;
	s4 =	sor.u32 s3, s28;
	s6 =	smul.u32 $0x13C00, s29  }
0x5: {  	[smem:$0x7FF] =	sst s2;
	s7 =	sshll.u32 s4, $0x7;
	s4 =	smul.u32 $0x4E2, s4  }
0x6: {  	s1 =	rddreg [dreg:$0x1];
	_ =	strace $0x80000047;
	s7 =	sand.u32 $0x380, s7  }
0x7: {  	s30 =	ssub.s32 $0x2, s3;
	s6 =	sor.u32 s6, s7;
	s4 =	sadd.s32 s4, s5  }
0x8: {  	s31 =	sshrl.u32 s30, $0x1;
	s6 =	sshrl.u32 s6, $0x3;
	s4 =	sadd.s32 $0x3000, s4  }
0x9: {  	[tilespmem:s2], [sflag:$0x1] =	stream.linear.gather [hbm4b:s4+s2], $0x2710, $0x38;
	[tilespmem:$0x4F00] =	vst v63  }
0xa: {  	s5 =	sadd.s32 s6, s5;
	s6 =	ssub.s32 s30, s31  }
0xb: {  	s3 =	simm.s32 $0x1;
	s9 =	smax.u32 s6, $0x1  }
0xc: {  	s8 =	simm.s32 $0x2780;
	_ =	swait.ge [sflag:s3], $0x2710;
	p0 =	sne.s32 s9, $0x1  }
.Ltmp0:
0xd: {  	s7 =	simm.s32 $0x400;
	[sflag:s3] =	ssyncset.done $0x0;
	(pc) =	sbr.rel @!p0 .LBB2_2-.Ltmp0, $4  }
0xe: {  	s5 =	sadd.s32 $0xCE00, s5;
	s6 =	simm.s32 $0x80;
	[sflag:s3] =	ssyncadd.s32 $0xFFFFD8F0  }
0xf: {  	[hbm4b:s5+s6] =	stream.strided.scatter [tilespmem:s8], [sflag:$0x1], $0x2780, s7, s6, $0x38;
	[tilespmem:$0x4F00] =	vst v63  }
0x10: {  	_ =	swait.ge [sflag:s3], $0x2780  }
0x11: {  	s9 =	sadd.s32 $0xFFFFFFFF, s9;
	[sflag:s3] =	ssyncset.done $0x0  }
.LBB2_1:
0x12: {  	p0 =	sne.s32 s9, $0x1;
	s9 =	sadd.s32 $0xFFFFFFFF, s9;
	[sflag:s3] =	ssyncadd.s32 $0xFFFFD880  }
0x13: {  	[tilespmem:s2], [sflag:$0x1] =	stream.linear.gather [hbm4b:s4+s2], $0x2710, $0x38;
	[tilespmem:$0x4F00] =	vst v63  }
0x14: {  	_ =	swait.ge [sflag:s3], $0x2710  }
.Ltmp1:
0x15: {  	[sflag:s3] =	ssyncset.done $0x0;
	(pc) =	sbr.rel @p0 .LBB2_1-.Ltmp1, $4  }
0x16: {  	[sflag:s3] =	ssyncadd.s32 $0xFFFFD8F0  }
0x17: {  	[hbm4b:s5+s6] =	stream.strided.scatter [tilespmem:s8], [sflag:$0x1], $0x2780, s7, s6, $0x38;
	[tilespmem:$0x4F00] =	vst v63  }
0x18: {  	_ =	swait.ge [sflag:s3], $0x2780  }
0x19: {  	[sflag:s3] =	ssyncset.done $0x0  }
.LBB2_2:
0x1a: {  	[sflag:s3] =	ssyncadd.s32 $0xFFFFD880  }
0x1b: {  	_ =	sfence.sel $0x180000  }
0x1c: {  	[bflag:$0x0] =	sbarrier.arrive $0xFFFF  }
0x1d: {  	p0 =	sne.s32 s0, $0x0;
	_ =	strace $0x90000047  }
0x1e: {  	s0 =	sadd.s32 @!p0 $0x100000, s1;
	[bflag:$0x2] =	sbarrier.arrive $0xFFFF  }
0x1f: {  	[sflag:s0] =	ssyncadd.tile.s32 @!p0 $0x1;
	_ =	shalt  }
.Lfunc_end2:
_tile_overlayer_lowered:
.L_overlay_start_2:
0x20: {  	(tag) =	ssettag $0x2  }
0x21: {  	s0 =	rddreg [dreg:$0x0];
	s2 =	stileid.u32  }
0x22: {  	s1 =	rddreg [dreg:$0x1];
	p0 =	sne.s32 s2, $0x0  }
0x23: {  	s3 =	rddreg [dreg:$0x2];
	[bflag:$0x3] =	sbarrier.arrive $0xFFFF;
	s2 =	simm.s32 @!p0 $0x1C01  }
0x24: {  	[timem:s3], [sflag:s2] =	dma.local @!p0 [hbm:s0], s1  }
0x25: {  	s0 =	simm.s32 @!p0 $0x1  }
0x26: {  	_ =	swait.ge @!p0 [sflag:s0], s1  }
0x27: {  	s1 =	ssub.s32 @!p0 $0x0, s1;
	[sflag:s0] =	ssyncset.done @!p0 $0x0  }
0x28: {  	[sflag:s0] =	ssyncadd.s32 @!p0 s1  }
0x29: {  	[bflag:$0x3] =	sbarrier.arrive $0xFFFF  }
0x2a: {  	_ =	shalt  }

</sc_bundles>
